<compile_context>
chip_gen: v7x
topology: tpu7x:2x2x1
jax: 0.10.2.dev20260603
libtpu: 0.0.44.dev20260713+nightly
codegen_flags: <defaults>
</compile_context>

<pallas_src>
import functools

import jax
import jax.numpy as jnp
from jax import lax
from jax.experimental import pallas as pl
from jax.experimental.pallas import tpu as pltpu
from jax.experimental.pallas import tpu_sc as plsc

_DIM = 32
_BATCH = 4096
_SEQ = 200

_info = plsc.get_sparse_core_info()
_NC = _info.num_cores
_NS = _info.num_subcores
_NW = _NC * _NS
_BL = _BATCH // _NW
_SC = 4
_NCH = _SEQ // _SC
_PITCH = _BL + 1

_mesh = plsc.VectorSubcoreMesh(core_axis_name="c", subcore_axis_name="s")


@functools.partial(
    pl.kernel,
    mesh=_mesh,
    out_type=jax.ShapeDtypeStruct((_SEQ, _DIM // 8, _NW, 8, _BL), jnp.float32),
    scratch_types=[
        pltpu.VMEM((_SEQ, _BL), jnp.int32),
        pltpu.VMEM((_SC * _BL, _DIM), jnp.float32),
        pltpu.VMEM((_SC * _BL, _DIM), jnp.float32),
        pltpu.VMEM((_SC, _DIM // 8, 1, 8, _PITCH), jnp.float32),
        pltpu.VMEM((_SC, _DIM // 8, 1, 8, _PITCH), jnp.float32),
        pltpu.SemaphoreType.DMA,
        pltpu.SemaphoreType.DMA,
        pltpu.SemaphoreType.DMA,
        pltpu.SemaphoreType.DMA,
    ],
    compiler_params=pltpu.CompilerParams(use_tc_tiling_on_sc=False, needs_layout_passes=False),
)
def _gather_kernel(idxT_hbm, table_hbm, out_hbm, idxT_v, r0, r1, t0, t1,
                   g0, g1, o0, o1):
    rows = (r0, r1)
    tiles = (t0, t1)
    gsem = (g0, g1)
    osem = (o0, o1)
    wid = lax.axis_index("s") * _NC + lax.axis_index("c")
    iota = lax.iota(jnp.int32, 16)
    zero16 = iota * 0

    pltpu.sync_copy(idxT_hbm.at[:, pl.ds(wid * _BL, _BL)], idxT_v)

    def fire_gathers(c, buf):
        for j in range(_SC):
            pltpu.async_copy(
                table_hbm.at[idxT_v.at[c * _SC + j]],
                rows[buf].at[pl.ds(j * _BL, _BL)], gsem[buf])

    def wait_gathers(c, buf):
        for j in range(_SC):
            pltpu.make_async_copy(
                table_hbm.at[idxT_v.at[c * _SC + j]],
                rows[buf].at[pl.ds(j * _BL, _BL)], gsem[buf]).wait()

    def out_desc(c, buf):
        return pltpu.make_async_copy(
            tiles[buf].at[:, :, :, :, pl.ds(0, _BL)],
            out_hbm.at[pl.ds(c * _SC, _SC), pl.ds(0, _DIM // 8),
                       pl.ds(wid, 1)],
            osem[buf])

    dv = (iota >> 3, (iota >> 3) + 2)
    rv = (iota & 7, iota & 7)

    def transpose(buf):
        @plsc.parallel_loop(0, _BL, 1, unroll=2)
        def _body(l):
            l_vec = zero16 + l
            for j in range(_SC):
                j_vec = zero16 + j
                row = j * _BL + l
                for h in range(2):
                    v = rows[buf][row, pl.ds(h * 16, 16)]
                    plsc.store_scatter(
                        tiles[buf], [j_vec, dv[h], zero16, rv[h], l_vec], v)

    fire_gathers(0, 0)

    def slot(c, buf):
        @pl.when(c + 1 < _NCH)
        def _():
            fire_gathers(c + 1, 1 - buf)

        wait_gathers(c, buf)

        @pl.when(c >= 2)
        def _():
            out_desc(c - 2, buf).wait()

        transpose(buf)
        out_desc(c, buf).start()

    def outer(o, carry):
        slot(2 * o, 0)
        slot(2 * o + 1, 1)
        return carry

    lax.fori_loop(0, _NCH // 2, outer, 0)
    out_desc(_NCH - 2, 0).wait()
    out_desc(_NCH - 1, 1).wait()


def kernel(image, table):
    idxT = image.T.astype(jnp.int32)
    out5 = _gather_kernel(idxT, table)
    return out5.transpose(2, 4, 0, 1, 3).reshape(_BATCH, _SEQ, _DIM)

# --- scband reference (transcript-rebuilt; emitter-appended) ---
"""Pipeline reference for scband-image-embedding-35167192220137 (READ-ONLY COPY).

The authoritative reference and input builder live on the scoring server;
editing this copy changes nothing except your own understanding.
"""

import jax, jax.numpy as jnp
import numpy as np

NUM_TOKENS = 1000000
DIM = 32
BATCH = 4096
SEQ = 200

def setup_inputs(seed: int = 0) -> dict:
    key = jax.random.key(seed)
    k_idx, k_tab = jax.random.split(key)
    image = jax.random.randint(k_idx, (BATCH, SEQ), 0, NUM_TOKENS, dtype=jnp.int64 if jax.config.jax_enable_x64 else jnp.int32)
    table = jax.random.normal(k_tab, (NUM_TOKENS, DIM), dtype=jnp.float32)
    return {"image": image, "table": table}

def reference(image, table):
    # nn.Embedding lookup: table[image] -> [B, S, dim]
    return jnp.take(table, image, axis=0)

if __name__ == "__main__":
    import jax
    _d = setup_inputs()
    print(jax.jit(kernel)(*tuple(_d.values())))

</pallas_src>

<mosaic_0001>
#map = affine_map<(d0, d1) -> (0, 0)>
#map1 = affine_map<(d0, d1) -> (0, 0, 0, 0, 0)>
module attributes {stable_mosaic.version = 14 : i64} {
  func.func @_gather_kernel(%arg0: i32, %arg1: i32, %arg2: memref<200x4096xi32, #tpu.memory_space<hbm>>, %arg3: memref<1000000x32xf32, #tpu.memory_space<hbm>>, %arg4: memref<200x4x32x8x128xf32, #tpu.memory_space<hbm>>, %arg5: memref<200x128xi32, #tpu.memory_space<vmem>>, %arg6: memref<512x32xf32, #tpu.memory_space<vmem>>, %arg7: memref<512x32xf32, #tpu.memory_space<vmem>>, %arg8: memref<4x4x1x8x129xf32, #tpu.memory_space<vmem>>, %arg9: memref<4x4x1x8x129xf32, #tpu.memory_space<vmem>>, %arg10: memref<!tpu.dma_semaphore, #tpu.memory_space<semaphore_mem>>, %arg11: memref<!tpu.dma_semaphore, #tpu.memory_space<semaphore_mem>>, %arg12: memref<!tpu.dma_semaphore, #tpu.memory_space<semaphore_mem>>, %arg13: memref<!tpu.dma_semaphore, #tpu.memory_space<semaphore_mem>>) attributes {dimension_semantics = [#tpu.dimension_semantics<core_parallel>, #tpu.dimension_semantics<subcore_parallel>], iteration_bounds = array<i64: 2, 16>, scalar_prefetch = 0 : i64, scratch_operands = 9 : i64, tpu.core_type = #tpu.core_type<sc_vector_subcore>, window_params = [{transform_indices = #map}, {transform_indices = #map}, {transform_indices = #map1}]} {
    %mul3A = arith.constant 2 : i32
    %mul3A_0 = arith.muli %arg1, %mul3A : i32
    %add3A = arith.addi %mul3A_0, %arg0 : i32
    %iota3A = tpu.iota {dimensions = array<i32: 0>} : vector<16xi32>
    %mul3A_1 = arith.constant 0 : i32
    %mul3A_2 = vector.broadcast %mul3A_1 : i32 to vector<16xi32>
    %mul3A_3 = arith.muli %iota3A, %mul3A_2 : vector<16xi32>
    %mul3A_4 = arith.constant 128 : i32
    %mul3A_5 = arith.muli %add3A, %mul3A_4 : i32
    "tpu.region"() ({
      %run_scoped3A = tpu.sem_alloc : memref<!tpu.dma_semaphore, #tpu.memory_space<semaphore_mem>>
      %dma_start3A_106 = arith.constant 0 : i32
      %dma_start3A_107 = tpu.memref_slice %arg2[%dma_start3A_106, %mul3A_5] : memref<200x4096xi32, #tpu.memory_space<hbm>> -> memref<200x128xi32, #tpu.memory_space<hbm>>
      %dma_start3A_108 = arith.constant 0 : i32
      %dma_start3A_109 = tpu.memref_slice %arg2[%dma_start3A_108, %mul3A_5] : memref<200x4096xi32, #tpu.memory_space<hbm>> -> memref<200x128xi32, #tpu.memory_space<hbm>>
      tpu.enqueue_dma source(%dma_start3A_109 : memref<200x128xi32, #tpu.memory_space<hbm>>) target(%arg5 : memref<200x128xi32, #tpu.memory_space<vmem>>) target_semaphore(%run_scoped3A : memref<!tpu.dma_semaphore, #tpu.memory_space<semaphore_mem>>)
      %dma_wait3A_110 = arith.constant 0 : i32
      %dma_wait3A_111 = tpu.memref_slice %arg2[%dma_wait3A_110, %mul3A_5] : memref<200x4096xi32, #tpu.memory_space<hbm>> -> memref<200x128xi32, #tpu.memory_space<hbm>>
      %dma_wait3A_112 = arith.constant 0 : i32
      %dma_wait3A_113 = tpu.memref_slice %arg2[%dma_wait3A_112, %mul3A_5] : memref<200x4096xi32, #tpu.memory_space<hbm>> -> memref<200x128xi32, #tpu.memory_space<hbm>>
      tpu.wait_dma2 semaphore(%run_scoped3A : memref<!tpu.dma_semaphore, #tpu.memory_space<semaphore_mem>>) src(%dma_wait3A_113 : memref<200x128xi32, #tpu.memory_space<hbm>>) dst(%arg5 : memref<200x128xi32, #tpu.memory_space<vmem>>)
      tpu.yield
    }) : () -> ()
    %shift_right_arithmetic3A = arith.constant 3 : i32
    %shift_right_arithmetic3A_6 = vector.broadcast %shift_right_arithmetic3A : i32 to vector<16xi32>
    %shift_right_arithmetic3A_7 = arith.shrsi %iota3A, %shift_right_arithmetic3A_6 : vector<16xi32>
    %shift_right_arithmetic3A_8 = arith.constant 3 : i32
    %shift_right_arithmetic3A_9 = vector.broadcast %shift_right_arithmetic3A_8 : i32 to vector<16xi32>
    %shift_right_arithmetic3A_10 = arith.shrsi %iota3A, %shift_right_arithmetic3A_9 : vector<16xi32>
    %add3A_11 = arith.constant 2 : i32
    %add3A_12 = vector.broadcast %add3A_11 : i32 to vector<16xi32>
    %add3A_13 = arith.addi %shift_right_arithmetic3A_10, %add3A_12 : vector<16xi32>
    %and3A = arith.constant 7 : i32
    %and3A_14 = vector.broadcast %and3A : i32 to vector<16xi32>
    %and3A_15 = arith.andi %iota3A, %and3A_14 : vector<16xi32>
    %and3A_16 = arith.constant 7 : i32
    %and3A_17 = vector.broadcast %and3A_16 : i32 to vector<16xi32>
    %and3A_18 = arith.andi %iota3A, %and3A_17 : vector<16xi32>
    %dma_start3A = arith.constant 0 : i32
    %dma_start3A_19 = arith.constant 0 : i32
    %dma_start3A_20 = arith.constant 0 : i32
    %dma_start3A_21 = tpu.memref_slice %arg6[%dma_start3A_19, %dma_start3A_20] : memref<512x32xf32, #tpu.memory_space<vmem>> -> memref<128x32xf32, #tpu.memory_space<vmem>>
    %dma_start3A_22 = arith.constant 0 : i32
    %dma_start3A_23 = tpu.memref_slice %arg5[%dma_start3A, %dma_start3A_22] : memref<200x128xi32, #tpu.memory_space<vmem>> -> memref<1x128xi32, #tpu.memory_space<vmem>>
    %dma_start3A_24 = tpu.memref_squeeze %dma_start3A_23 : memref<1x128xi32, #tpu.memory_space<vmem>> -> memref<128xi32, #tpu.memory_space<vmem>>
    %dma_start3A_25 = arith.constant 0 : i32
    %dma_start3A_26 = arith.constant 0 : i32
    %dma_start3A_27 = tpu.memref_slice %arg3[%dma_start3A_25, %dma_start3A_26] : memref<1000000x32xf32, #tpu.memory_space<hbm>> -> memref<1000000x32xf32, #tpu.memory_space<hbm>>
    tpu.enqueue_indirect_dma source(%dma_start3A_27 : memref<1000000x32xf32, #tpu.memory_space<hbm>>) target(%dma_start3A_21 : memref<128x32xf32, #tpu.memory_space<vmem>>) offsets(%dma_start3A_24 : memref<128xi32, #tpu.memory_space<vmem>>) semaphore(%arg10 : memref<!tpu.dma_semaphore, #tpu.memory_space<semaphore_mem>>)
    %dma_start3A_28 = arith.constant 1 : i32
    %dma_start3A_29 = arith.constant 128 : i32
    %dma_start3A_30 = arith.constant 0 : i32
    %dma_start3A_31 = tpu.memref_slice %arg6[%dma_start3A_29, %dma_start3A_30] : memref<512x32xf32, #tpu.memory_space<vmem>> -> memref<128x32xf32, #tpu.memory_space<vmem>>
    %dma_start3A_32 = arith.constant 0 : i32
    %dma_start3A_33 = tpu.memref_slice %arg5[%dma_start3A_28, %dma_start3A_32] : memref<200x128xi32, #tpu.memory_space<vmem>> -> memref<1x128xi32, #tpu.memory_space<vmem>>
    %dma_start3A_34 = tpu.memref_squeeze %dma_start3A_33 : memref<1x128xi32, #tpu.memory_space<vmem>> -> memref<128xi32, #tpu.memory_space<vmem>>
    %dma_start3A_35 = arith.constant 0 : i32
    %dma_start3A_36 = arith.constant 0 : i32
    %dma_start3A_37 = tpu.memref_slice %arg3[%dma_start3A_35, %dma_start3A_36] : memref<1000000x32xf32, #tpu.memory_space<hbm>> -> memref<1000000x32xf32, #tpu.memory_space<hbm>>
    tpu.enqueue_indirect_dma source(%dma_start3A_37 : memref<1000000x32xf32, #tpu.memory_space<hbm>>) target(%dma_start3A_31 : memref<128x32xf32, #tpu.memory_space<vmem>>) offsets(%dma_start3A_34 : memref<128xi32, #tpu.memory_space<vmem>>) semaphore(%arg10 : memref<!tpu.dma_semaphore, #tpu.memory_space<semaphore_mem>>)
    %dma_start3A_38 = arith.constant 2 : i32
    %dma_start3A_39 = arith.constant 256 : i32
    %dma_start3A_40 = arith.constant 0 : i32
    %dma_start3A_41 = tpu.memref_slice %arg6[%dma_start3A_39, %dma_start3A_40] : memref<512x32xf32, #tpu.memory_space<vmem>> -> memref<128x32xf32, #tpu.memory_space<vmem>>
    %dma_start3A_42 = arith.constant 0 : i32
    %dma_start3A_43 = tpu.memref_slice %arg5[%dma_start3A_38, %dma_start3A_42] : memref<200x128xi32, #tpu.memory_space<vmem>> -> memref<1x128xi32, #tpu.memory_space<vmem>>
    %dma_start3A_44 = tpu.memref_squeeze %dma_start3A_43 : memref<1x128xi32, #tpu.memory_space<vmem>> -> memref<128xi32, #tpu.memory_space<vmem>>
    %dma_start3A_45 = arith.constant 0 : i32
    %dma_start3A_46 = arith.constant 0 : i32
    %dma_start3A_47 = tpu.memref_slice %arg3[%dma_start3A_45, %dma_start3A_46] : memref<1000000x32xf32, #tpu.memory_space<hbm>> -> memref<1000000x32xf32, #tpu.memory_space<hbm>>
    tpu.enqueue_indirect_dma source(%dma_start3A_47 : memref<1000000x32xf32, #tpu.memory_space<hbm>>) target(%dma_start3A_41 : memref<128x32xf32, #tpu.memory_space<vmem>>) offsets(%dma_start3A_44 : memref<128xi32, #tpu.memory_space<vmem>>) semaphore(%arg10 : memref<!tpu.dma_semaphore, #tpu.memory_space<semaphore_mem>>)
    %dma_start3A_48 = arith.constant 3 : i32
    %dma_start3A_49 = arith.constant 384 : i32
    %dma_start3A_50 = arith.constant 0 : i32
    %dma_start3A_51 = tpu.memref_slice %arg6[%dma_start3A_49, %dma_start3A_50] : memref<512x32xf32, #tpu.memory_space<vmem>> -> memref<128x32xf32, #tpu.memory_space<vmem>>
    %dma_start3A_52 = arith.constant 0 : i32
    %dma_start3A_53 = tpu.memref_slice %arg5[%dma_start3A_48, %dma_start3A_52] : memref<200x128xi32, #tpu.memory_space<vmem>> -> memref<1x128xi32, #tpu.memory_space<vmem>>
    %dma_start3A_54 = tpu.memref_squeeze %dma_start3A_53 : memref<1x128xi32, #tpu.memory_space<vmem>> -> memref<128xi32, #tpu.memory_space<vmem>>
    %dma_start3A_55 = arith.constant 0 : i32
    %dma_start3A_56 = arith.constant 0 : i32
    %dma_start3A_57 = tpu.memref_slice %arg3[%dma_start3A_55, %dma_start3A_56] : memref<1000000x32xf32, #tpu.memory_space<hbm>> -> memref<1000000x32xf32, #tpu.memory_space<hbm>>
    tpu.enqueue_indirect_dma source(%dma_start3A_57 : memref<1000000x32xf32, #tpu.memory_space<hbm>>) target(%dma_start3A_51 : memref<128x32xf32, #tpu.memory_space<vmem>>) offsets(%dma_start3A_54 : memref<128xi32, #tpu.memory_space<vmem>>) semaphore(%arg10 : memref<!tpu.dma_semaphore, #tpu.memory_space<semaphore_mem>>)
    %scan3A = arith.constant 0 : i32
    %scan3A_58 = arith.constant 0 : i32
    %scan3A_59 = arith.constant 25 : i32
    %scan3A_60 = arith.addi %scan3A_58, %scan3A_59 : i32
    %scan3A_61 = arith.constant 1 : i32
    scf.for %scan3A_106 = %scan3A_58 to %scan3A_60 step %scan3A_61  : i32 {
      %mul3A_107 = arith.constant 2 : i32
      %mul3A_108 = arith.muli %mul3A_107, %scan3A_106 : i32
      %add3A_109 = arith.constant 1 : i32
      %add3A_110 = arith.addi %mul3A_108, %add3A_109 : i32
      %lt3A = arith.constant 50 : i32
      %lt3A_111 = arith.cmpi slt, %add3A_110, %lt3A : i32
      %convert_element_type3A = arith.extui %lt3A_111 : i1 to i32
      %cond3A = arith.constant 0 : i32
      %cond3A_112 = arith.cmpi ne, %convert_element_type3A, %cond3A : i32
      scf.if %cond3A_112 {
        %add3A_286 = arith.constant 1 : i32
        %add3A_287 = arith.addi %mul3A_108, %add3A_286 : i32
        %mul3A_288 = arith.constant 4 : i32
        %mul3A_289 = arith.muli %add3A_287, %mul3A_288 : i32
        %add3A_290 = arith.constant 0 : i32
        %add3A_291 = arith.addi %mul3A_289, %add3A_290 : i32
        %dma_start3A_292 = arith.constant 0 : i32
        %dma_start3A_293 = arith.constant 0 : i32
        %dma_start3A_294 = tpu.memref_slice %arg7[%dma_start3A_292, %dma_start3A_293] : memref<512x32xf32, #tpu.memory_space<vmem>> -> memref<128x32xf32, #tpu.memory_space<vmem>>
        %dma_start3A_295 = arith.constant 0 : i32
        %dma_start3A_296 = tpu.memref_slice %arg5[%add3A_291, %dma_start3A_295] : memref<200x128xi32, #tpu.memory_space<vmem>> -> memref<1x128xi32, #tpu.memory_space<vmem>>
        %dma_start3A_297 = tpu.memref_squeeze %dma_start3A_296 : memref<1x128xi32, #tpu.memory_space<vmem>> -> memref<128xi32, #tpu.memory_space<vmem>>
        %dma_start3A_298 = arith.constant 0 : i32
        %dma_start3A_299 = arith.constant 0 : i32
        %dma_start3A_300 = tpu.memref_slice %arg3[%dma_start3A_298, %dma_start3A_299] : memref<1000000x32xf32, #tpu.memory_space<hbm>> -> memref<1000000x32xf32, #tpu.memory_space<hbm>>
        tpu.enqueue_indirect_dma source(%dma_start3A_300 : memref<1000000x32xf32, #tpu.memory_space<hbm>>) target(%dma_start3A_294 : memref<128x32xf32, #tpu.memory_space<vmem>>) offsets(%dma_start3A_297 : memref<128xi32, #tpu.memory_space<vmem>>) semaphore(%arg11 : memref<!tpu.dma_semaphore, #tpu.memory_space<semaphore_mem>>)
        %mul3A_301 = arith.constant 4 : i32
        %mul3A_302 = arith.muli %add3A_287, %mul3A_301 : i32
        %add3A_303 = arith.constant 1 : i32
        %add3A_304 = arith.addi %mul3A_302, %add3A_303 : i32
        %dma_start3A_305 = arith.constant 128 : i32
        %dma_start3A_306 = arith.constant 0 : i32
        %dma_start3A_307 = tpu.memref_slice %arg7[%dma_start3A_305, %dma_start3A_306] : memref<512x32xf32, #tpu.memory_space<vmem>> -> memref<128x32xf32, #tpu.memory_space<vmem>>
        %dma_start3A_308 = arith.constant 0 : i32
        %dma_start3A_309 = tpu.memref_slice %arg5[%add3A_304, %dma_start3A_308] : memref<200x128xi32, #tpu.memory_space<vmem>> -> memref<1x128xi32, #tpu.memory_space<vmem>>
        %dma_start3A_310 = tpu.memref_squeeze %dma_start3A_309 : memref<1x128xi32, #tpu.memory_space<vmem>> -> memref<128xi32, #tpu.memory_space<vmem>>
        %dma_start3A_311 = arith.constant 0 : i32
        %dma_start3A_312 = arith.constant 0 : i32
        %dma_start3A_313 = tpu.memref_slice %arg3[%dma_start3A_311, %dma_start3A_312] : memref<1000000x32xf32, #tpu.memory_space<hbm>> -> memref<1000000x32xf32, #tpu.memory_space<hbm>>
        tpu.enqueue_indirect_dma source(%dma_start3A_313 : memref<1000000x32xf32, #tpu.memory_space<hbm>>) target(%dma_start3A_307 : memref<128x32xf32, #tpu.memory_space<vmem>>) offsets(%dma_start3A_310 : memref<128xi32, #tpu.memory_space<vmem>>) semaphore(%arg11 : memref<!tpu.dma_semaphore, #tpu.memory_space<semaphore_mem>>)
        %mul3A_314 = arith.constant 4 : i32
        %mul3A_315 = arith.muli %add3A_287, %mul3A_314 : i32
        %add3A_316 = arith.constant 2 : i32
        %add3A_317 = arith.addi %mul3A_315, %add3A_316 : i32
        %dma_start3A_318 = arith.constant 256 : i32
        %dma_start3A_319 = arith.constant 0 : i32
        %dma_start3A_320 = tpu.memref_slice %arg7[%dma_start3A_318, %dma_start3A_319] : memref<512x32xf32, #tpu.memory_space<vmem>> -> memref<128x32xf32, #tpu.memory_space<vmem>>
        %dma_start3A_321 = arith.constant 0 : i32
        %dma_start3A_322 = tpu.memref_slice %arg5[%add3A_317, %dma_start3A_321] : memref<200x128xi32, #tpu.memory_space<vmem>> -> memref<1x128xi32, #tpu.memory_space<vmem>>
        %dma_start3A_323 = tpu.memref_squeeze %dma_start3A_322 : memref<1x128xi32, #tpu.memory_space<vmem>> -> memref<128xi32, #tpu.memory_space<vmem>>
        %dma_start3A_324 = arith.constant 0 : i32
        %dma_start3A_325 = arith.constant 0 : i32
        %dma_start3A_326 = tpu.memref_slice %arg3[%dma_start3A_324, %dma_start3A_325] : memref<1000000x32xf32, #tpu.memory_space<hbm>> -> memref<1000000x32xf32, #tpu.memory_space<hbm>>
        tpu.enqueue_indirect_dma source(%dma_start3A_326 : memref<1000000x32xf32, #tpu.memory_space<hbm>>) target(%dma_start3A_320 : memref<128x32xf32, #tpu.memory_space<vmem>>) offsets(%dma_start3A_323 : memref<128xi32, #tpu.memory_space<vmem>>) semaphore(%arg11 : memref<!tpu.dma_semaphore, #tpu.memory_space<semaphore_mem>>)
        %mul3A_327 = arith.constant 4 : i32
        %mul3A_328 = arith.muli %add3A_287, %mul3A_327 : i32
        %add3A_329 = arith.constant 3 : i32
        %add3A_330 = arith.addi %mul3A_328, %add3A_329 : i32
        %dma_start3A_331 = arith.constant 384 : i32
        %dma_start3A_332 = arith.constant 0 : i32
        %dma_start3A_333 = tpu.memref_slice %arg7[%dma_start3A_331, %dma_start3A_332] : memref<512x32xf32, #tpu.memory_space<vmem>> -> memref<128x32xf32, #tpu.memory_space<vmem>>
        %dma_start3A_334 = arith.constant 0 : i32
        %dma_start3A_335 = tpu.memref_slice %arg5[%add3A_330, %dma_start3A_334] : memref<200x128xi32, #tpu.memory_space<vmem>> -> memref<1x128xi32, #tpu.memory_space<vmem>>
        %dma_start3A_336 = tpu.memref_squeeze %dma_start3A_335 : memref<1x128xi32, #tpu.memory_space<vmem>> -> memref<128xi32, #tpu.memory_space<vmem>>
        %dma_start3A_337 = arith.constant 0 : i32
        %dma_start3A_338 = arith.constant 0 : i32
        %dma_start3A_339 = tpu.memref_slice %arg3[%dma_start3A_337, %dma_start3A_338] : memref<1000000x32xf32, #tpu.memory_space<hbm>> -> memref<1000000x32xf32, #tpu.memory_space<hbm>>
        tpu.enqueue_indirect_dma source(%dma_start3A_339 : memref<1000000x32xf32, #tpu.memory_space<hbm>>) target(%dma_start3A_333 : memref<128x32xf32, #tpu.memory_space<vmem>>) offsets(%dma_start3A_336 : memref<128xi32, #tpu.memory_space<vmem>>) semaphore(%arg11 : memref<!tpu.dma_semaphore, #tpu.memory_space<semaphore_mem>>)
      } else {
      }
      %mul3A_113 = arith.constant 4 : i32
      %mul3A_114 = arith.muli %mul3A_108, %mul3A_113 : i32
      %add3A_115 = arith.constant 0 : i32
      %add3A_116 = arith.addi %mul3A_114, %add3A_115 : i32
      %dma_wait3A_117 = arith.constant 0 : i32
      %dma_wait3A_118 = arith.constant 0 : i32
      %dma_wait3A_119 = tpu.memref_slice %arg6[%dma_wait3A_117, %dma_wait3A_118] : memref<512x32xf32, #tpu.memory_space<vmem>> -> memref<128x32xf32, #tpu.memory_space<vmem>>
      %dma_wait3A_120 = arith.constant 0 : i32
      %dma_wait3A_121 = tpu.memref_slice %arg5[%add3A_116, %dma_wait3A_120] : memref<200x128xi32, #tpu.memory_space<vmem>> -> memref<1x128xi32, #tpu.memory_space<vmem>>
      %dma_wait3A_122 = tpu.memref_squeeze %dma_wait3A_121 : memref<1x128xi32, #tpu.memory_space<vmem>> -> memref<128xi32, #tpu.memory_space<vmem>>
      %dma_wait3A_123 = arith.constant 0 : i32
      %dma_wait3A_124 = arith.constant 0 : i32
      %dma_wait3A_125 = tpu.memref_slice %arg3[%dma_wait3A_123, %dma_wait3A_124] : memref<1000000x32xf32, #tpu.memory_space<hbm>> -> memref<1000000x32xf32, #tpu.memory_space<hbm>>
      tpu.wait_indirect_dma semaphore(%arg10 : memref<!tpu.dma_semaphore, #tpu.memory_space<semaphore_mem>>) src(%dma_wait3A_125 : memref<1000000x32xf32, #tpu.memory_space<hbm>>) dst(%dma_wait3A_119 : memref<128x32xf32, #tpu.memory_space<vmem>>)
      %mul3A_126 = arith.constant 4 : i32
      %mul3A_127 = arith.muli %mul3A_108, %mul3A_126 : i32
      %add3A_128 = arith.constant 1 : i32
      %add3A_129 = arith.addi %mul3A_127, %add3A_128 : i32
      %dma_wait3A_130 = arith.constant 128 : i32
      %dma_wait3A_131 = arith.constant 0 : i32
      %dma_wait3A_132 = tpu.memref_slice %arg6[%dma_wait3A_130, %dma_wait3A_131] : memref<512x32xf32, #tpu.memory_space<vmem>> -> memref<128x32xf32, #tpu.memory_space<vmem>>
      %dma_wait3A_133 = arith.constant 0 : i32
      %dma_wait3A_134 = tpu.memref_slice %arg5[%add3A_129, %dma_wait3A_133] : memref<200x128xi32, #tpu.memory_space<vmem>> -> memref<1x128xi32, #tpu.memory_space<vmem>>
      %dma_wait3A_135 = tpu.memref_squeeze %dma_wait3A_134 : memref<1x128xi32, #tpu.memory_space<vmem>> -> memref<128xi32, #tpu.memory_space<vmem>>
      %dma_wait3A_136 = arith.constant 0 : i32
      %dma_wait3A_137 = arith.constant 0 : i32
      %dma_wait3A_138 = tpu.memref_slice %arg3[%dma_wait3A_136, %dma_wait3A_137] : memref<1000000x32xf32, #tpu.memory_space<hbm>> -> memref<1000000x32xf32, #tpu.memory_space<hbm>>
      tpu.wait_indirect_dma semaphore(%arg10 : memref<!tpu.dma_semaphore, #tpu.memory_space<semaphore_mem>>) src(%dma_wait3A_138 : memref<1000000x32xf32, #tpu.memory_space<hbm>>) dst(%dma_wait3A_132 : memref<128x32xf32, #tpu.memory_space<vmem>>)
      %mul3A_139 = arith.constant 4 : i32
      %mul3A_140 = arith.muli %mul3A_108, %mul3A_139 : i32
      %add3A_141 = arith.constant 2 : i32
      %add3A_142 = arith.addi %mul3A_140, %add3A_141 : i32
      %dma_wait3A_143 = arith.constant 256 : i32
      %dma_wait3A_144 = arith.constant 0 : i32
      %dma_wait3A_145 = tpu.memref_slice %arg6[%dma_wait3A_143, %dma_wait3A_144] : memref<512x32xf32, #tpu.memory_space<vmem>> -> memref<128x32xf32, #tpu.memory_space<vmem>>
      %dma_wait3A_146 = arith.constant 0 : i32
      %dma_wait3A_147 = tpu.memref_slice %arg5[%add3A_142, %dma_wait3A_146] : memref<200x128xi32, #tpu.memory_space<vmem>> -> memref<1x128xi32, #tpu.memory_space<vmem>>
      %dma_wait3A_148 = tpu.memref_squeeze %dma_wait3A_147 : memref<1x128xi32, #tpu.memory_space<vmem>> -> memref<128xi32, #tpu.memory_space<vmem>>
      %dma_wait3A_149 = arith.constant 0 : i32
      %dma_wait3A_150 = arith.constant 0 : i32
      %dma_wait3A_151 = tpu.memref_slice %arg3[%dma_wait3A_149, %dma_wait3A_150] : memref<1000000x32xf32, #tpu.memory_space<hbm>> -> memref<1000000x32xf32, #tpu.memory_space<hbm>>
      tpu.wait_indirect_dma semaphore(%arg10 : memref<!tpu.dma_semaphore, #tpu.memory_space<semaphore_mem>>) src(%dma_wait3A_151 : memref<1000000x32xf32, #tpu.memory_space<hbm>>) dst(%dma_wait3A_145 : memref<128x32xf32, #tpu.memory_space<vmem>>)
      %mul3A_152 = arith.constant 4 : i32
      %mul3A_153 = arith.muli %mul3A_108, %mul3A_152 : i32
      %add3A_154 = arith.constant 3 : i32
      %add3A_155 = arith.addi %mul3A_153, %add3A_154 : i32
      %dma_wait3A_156 = arith.constant 384 : i32
      %dma_wait3A_157 = arith.constant 0 : i32
      %dma_wait3A_158 = tpu.memref_slice %arg6[%dma_wait3A_156, %dma_wait3A_157] : memref<512x32xf32, #tpu.memory_space<vmem>> -> memref<128x32xf32, #tpu.memory_space<vmem>>
      %dma_wait3A_159 = arith.constant 0 : i32
      %dma_wait3A_160 = tpu.memref_slice %arg5[%add3A_155, %dma_wait3A_159] : memref<200x128xi32, #tpu.memory_space<vmem>> -> memref<1x128xi32, #tpu.memory_space<vmem>>
      %dma_wait3A_161 = tpu.memref_squeeze %dma_wait3A_160 : memref<1x128xi32, #tpu.memory_space<vmem>> -> memref<128xi32, #tpu.memory_space<vmem>>
      %dma_wait3A_162 = arith.constant 0 : i32
      %dma_wait3A_163 = arith.constant 0 : i32
      %dma_wait3A_164 = tpu.memref_slice %arg3[%dma_wait3A_162, %dma_wait3A_163] : memref<1000000x32xf32, #tpu.memory_space<hbm>> -> memref<1000000x32xf32, #tpu.memory_space<hbm>>
      tpu.wait_indirect_dma semaphore(%arg10 : memref<!tpu.dma_semaphore, #tpu.memory_space<semaphore_mem>>) src(%dma_wait3A_164 : memref<1000000x32xf32, #tpu.memory_space<hbm>>) dst(%dma_wait3A_158 : memref<128x32xf32, #tpu.memory_space<vmem>>)
      %ge3A = arith.constant 2 : i32
      %ge3A_165 = arith.cmpi sge, %mul3A_108, %ge3A : i32
      %convert_element_type3A_166 = arith.extui %ge3A_165 : i1 to i32
      %cond3A_167 = arith.constant 0 : i32
      %cond3A_168 = arith.cmpi ne, %convert_element_type3A_166, %cond3A_167 : i32
      scf.if %cond3A_168 {
        %sub3A = arith.constant 2 : i32
        %sub3A_286 = arith.subi %mul3A_108, %sub3A : i32
        %mul3A_287 = arith.constant 4 : i32
        %mul3A_288 = arith.muli %sub3A_286, %mul3A_287 : i32
        %dma_wait3A_289 = arith.constant 0 : i32
        %dma_wait3A_290 = arith.constant 0 : i32
        %dma_wait3A_291 = arith.constant 0 : i32
        %dma_wait3A_292 = arith.constant 0 : i32
        %dma_wait3A_293 = arith.constant 0 : i32
        %dma_wait3A_294 = tpu.memref_slice %arg8[%dma_wait3A_289, %dma_wait3A_290, %dma_wait3A_291, %dma_wait3A_292, %dma_wait3A_293] : memref<4x4x1x8x129xf32, #tpu.memory_space<vmem>> -> memref<4x4x1x8x128xf32, #tpu.memory_space<vmem>>
        %dma_wait3A_295 = arith.constant 0 : i32
        %dma_wait3A_296 = arith.constant 0 : i32
        %dma_wait3A_297 = arith.constant 0 : i32
        %dma_wait3A_298 = tpu.memref_slice %arg4[%mul3A_288, %dma_wait3A_295, %add3A, %dma_wait3A_296, %dma_wait3A_297] : memref<200x4x32x8x128xf32, #tpu.memory_space<hbm>> -> memref<4x4x1x8x128xf32, #tpu.memory_space<hbm>>
        %dma_wait3A_299 = arith.constant 0 : i32
        %dma_wait3A_300 = arith.constant 0 : i32
        %dma_wait3A_301 = arith.constant 0 : i32
        %dma_wait3A_302 = tpu.memref_slice %arg4[%mul3A_288, %dma_wait3A_299, %add3A, %dma_wait3A_300, %dma_wait3A_301] : memref<200x4x32x8x128xf32, #tpu.memory_space<hbm>> -> memref<4x4x1x8x128xf32, #tpu.memory_space<hbm>>
        %dma_wait3A_303 = arith.constant 0 : i32
        %dma_wait3A_304 = arith.constant 0 : i32
        %dma_wait3A_305 = arith.constant 0 : i32
        %dma_wait3A_306 = arith.constant 0 : i32
        %dma_wait3A_307 = arith.constant 0 : i32
        %dma_wait3A_308 = tpu.memref_slice %arg8[%dma_wait3A_303, %dma_wait3A_304, %dma_wait3A_305, %dma_wait3A_306, %dma_wait3A_307] : memref<4x4x1x8x129xf32, #tpu.memory_space<vmem>> -> memref<4x4x1x8x128xf32, #tpu.memory_space<vmem>>
        tpu.wait_dma2 semaphore(%arg12 : memref<!tpu.dma_semaphore, #tpu.memory_space<semaphore_mem>>) src(%dma_wait3A_308 : memref<4x4x1x8x128xf32, #tpu.memory_space<vmem>>) dst(%dma_wait3A_302 : memref<4x4x1x8x128xf32, #tpu.memory_space<hbm>>)
      } else {
      }
      %parallel_loop3A = arith.constant 0 : i32
      %parallel_loop3A_169 = arith.constant 128 : i32
      %parallel_loop3A_170 = arith.constant 1 : i32
      scf.for %parallel_loop3A_286 = %parallel_loop3A to %parallel_loop3A_169 step %parallel_loop3A_170  : i32 {
        %parallel_loop3A_287 = vector.broadcast %parallel_loop3A_286 : i32 to vector<16xi32>
        %parallel_loop3A_288 = arith.addi %mul3A_3, %parallel_loop3A_287 : vector<16xi32>
        %parallel_loop3A_289 = arith.constant 0 : i32
        %parallel_loop3A_290 = vector.broadcast %parallel_loop3A_289 : i32 to vector<16xi32>
        %parallel_loop3A_291 = arith.addi %mul3A_3, %parallel_loop3A_290 : vector<16xi32>
        %parallel_loop3A_292 = arith.constant 0 : i32
        %parallel_loop3A_293 = arith.addi %parallel_loop3A_292, %parallel_loop3A_286 : i32
        %parallel_loop3A_294 = arith.index_cast %parallel_loop3A_293 : i32 to index
        %parallel_loop3A_295 = arith.constant 0 : index
        %parallel_loop3A_296 = tpu.vector_load %arg6[%parallel_loop3A_294, %parallel_loop3A_295] {strides = array<i32>} : memref<512x32xf32, #tpu.memory_space<vmem>>, vector<16xf32>,
        tpu.vector_store_idx %arg8[%parallel_loop3A_291, %shift_right_arithmetic3A_7, %mul3A_3, %and3A_15, %parallel_loop3A_288], %parallel_loop3A_296 : memref<4x4x1x8x129xf32, #tpu.memory_space<vmem>>[vector<16xi32>, vector<16xi32>, vector<16xi32>, vector<16xi32>, vector<16xi32>], vector<16xf32>,
        %parallel_loop3A_297 = arith.index_cast %parallel_loop3A_293 : i32 to index
        %parallel_loop3A_298 = arith.constant 16 : index
        %parallel_loop3A_299 = tpu.vector_load %arg6[%parallel_loop3A_297, %parallel_loop3A_298] {strides = array<i32>} : memref<512x32xf32, #tpu.memory_space<vmem>>, vector<16xf32>,
        tpu.vector_store_idx %arg8[%parallel_loop3A_291, %add3A_13, %mul3A_3, %and3A_18, %parallel_loop3A_288], %parallel_loop3A_299 : memref<4x4x1x8x129xf32, #tpu.memory_space<vmem>>[vector<16xi32>, vector<16xi32>, vector<16xi32>, vector<16xi32>, vector<16xi32>], vector<16xf32>,
        %parallel_loop3A_300 = arith.constant 1 : i32
        %parallel_loop3A_301 = vector.broadcast %parallel_loop3A_300 : i32 to vector<16xi32>
        %parallel_loop3A_302 = arith.addi %mul3A_3, %parallel_loop3A_301 : vector<16xi32>
        %parallel_loop3A_303 = arith.constant 128 : i32
        %parallel_loop3A_304 = arith.addi %parallel_loop3A_303, %parallel_loop3A_286 : i32
        %parallel_loop3A_305 = arith.index_cast %parallel_loop3A_304 : i32 to index
        %parallel_loop3A_306 = arith.constant 0 : index
        %parallel_loop3A_307 = tpu.vector_load %arg6[%parallel_loop3A_305, %parallel_loop3A_306] {strides = array<i32>} : memref<512x32xf32, #tpu.memory_space<vmem>>, vector<16xf32>,
        tpu.vector_store_idx %arg8[%parallel_loop3A_302, %shift_right_arithmetic3A_7, %mul3A_3, %and3A_15, %parallel_loop3A_288], %parallel_loop3A_307 : memref<4x4x1x8x129xf32, #tpu.memory_space<vmem>>[vector<16xi32>, vector<16xi32>, vector<16xi32>, vector<16xi32>, vector<16xi32>], vector<16xf32>,
        %parallel_loop3A_308 = arith.index_cast %parallel_loop3A_304 : i32 to index
        %parallel_loop3A_309 = arith.constant 16 : index
        %parallel_loop3A_310 = tpu.vector_load %arg6[%parallel_loop3A_308, %parallel_loop3A_309] {strides = array<i32>} : memref<512x32xf32, #tpu.memory_space<vmem>>, vector<16xf32>,
        tpu.vector_store_idx %arg8[%parallel_loop3A_302, %add3A_13, %mul3A_3, %and3A_18, %parallel_loop3A_288], %parallel_loop3A_310 : memref<4x4x1x8x129xf32, #tpu.memory_space<vmem>>[vector<16xi32>, vector<16xi32>, vector<16xi32>, vector<16xi32>, vector<16xi32>], vector<16xf32>,
        %parallel_loop3A_311 = arith.constant 2 : i32
        %parallel_loop3A_312 = vector.broadcast %parallel_loop3A_311 : i32 to vector<16xi32>
        %parallel_loop3A_313 = arith.addi %mul3A_3, %parallel_loop3A_312 : vector<16xi32>
        %parallel_loop3A_314 = arith.constant 256 : i32
        %parallel_loop3A_315 = arith.addi %parallel_loop3A_314, %parallel_loop3A_286 : i32
        %parallel_loop3A_316 = arith.index_cast %parallel_loop3A_315 : i32 to index
        %parallel_loop3A_317 = arith.constant 0 : index
        %parallel_loop3A_318 = tpu.vector_load %arg6[%parallel_loop3A_316, %parallel_loop3A_317] {strides = array<i32>} : memref<512x32xf32, #tpu.memory_space<vmem>>, vector<16xf32>,
        tpu.vector_store_idx %arg8[%parallel_loop3A_313, %shift_right_arithmetic3A_7, %mul3A_3, %and3A_15, %parallel_loop3A_288], %parallel_loop3A_318 : memref<4x4x1x8x129xf32, #tpu.memory_space<vmem>>[vector<16xi32>, vector<16xi32>, vector<16xi32>, vector<16xi32>, vector<16xi32>], vector<16xf32>,
        %parallel_loop3A_319 = arith.index_cast %parallel_loop3A_315 : i32 to index
        %parallel_loop3A_320 = arith.constant 16 : index
        %parallel_loop3A_321 = tpu.vector_load %arg6[%parallel_loop3A_319, %parallel_loop3A_320] {strides = array<i32>} : memref<512x32xf32, #tpu.memory_space<vmem>>, vector<16xf32>,
        tpu.vector_store_idx %arg8[%parallel_loop3A_313, %add3A_13, %mul3A_3, %and3A_18, %parallel_loop3A_288], %parallel_loop3A_321 : memref<4x4x1x8x129xf32, #tpu.memory_space<vmem>>[vector<16xi32>, vector<16xi32>, vector<16xi32>, vector<16xi32>, vector<16xi32>], vector<16xf32>,
        %parallel_loop3A_322 = arith.constant 3 : i32
        %parallel_loop3A_323 = vector.broadcast %parallel_loop3A_322 : i32 to vector<16xi32>
        %parallel_loop3A_324 = arith.addi %mul3A_3, %parallel_loop3A_323 : vector<16xi32>
        %parallel_loop3A_325 = arith.constant 384 : i32
        %parallel_loop3A_326 = arith.addi %parallel_loop3A_325, %parallel_loop3A_286 : i32
        %parallel_loop3A_327 = arith.index_cast %parallel_loop3A_326 : i32 to index
        %parallel_loop3A_328 = arith.constant 0 : index
        %parallel_loop3A_329 = tpu.vector_load %arg6[%parallel_loop3A_327, %parallel_loop3A_328] {strides = array<i32>} : memref<512x32xf32, #tpu.memory_space<vmem>>, vector<16xf32>,
        tpu.vector_store_idx %arg8[%parallel_loop3A_324, %shift_right_arithmetic3A_7, %mul3A_3, %and3A_15, %parallel_loop3A_288], %parallel_loop3A_329 : memref<4x4x1x8x129xf32, #tpu.memory_space<vmem>>[vector<16xi32>, vector<16xi32>, vector<16xi32>, vector<16xi32>, vector<16xi32>], vector<16xf32>,
        %parallel_loop3A_330 = arith.index_cast %parallel_loop3A_326 : i32 to index
        %parallel_loop3A_331 = arith.constant 16 : index
        %parallel_loop3A_332 = tpu.vector_load %arg6[%parallel_loop3A_330, %parallel_loop3A_331] {strides = array<i32>} : memref<512x32xf32, #tpu.memory_space<vmem>>, vector<16xf32>,
        tpu.vector_store_idx %arg8[%parallel_loop3A_324, %add3A_13, %mul3A_3, %and3A_18, %parallel_loop3A_288], %parallel_loop3A_332 : memref<4x4x1x8x129xf32, #tpu.memory_space<vmem>>[vector<16xi32>, vector<16xi32>, vector<16xi32>, vector<16xi32>, vector<16xi32>], vector<16xf32>,
      } {sc.loop_unroll_factor = 2 : i64, sc.parallel_access}
      %mul3A_171 = arith.constant 4 : i32
      %mul3A_172 = arith.muli %mul3A_108, %mul3A_171 : i32
      %dma_start3A_173 = arith.constant 0 : i32
      %dma_start3A_174 = arith.constant 0 : i32
      %dma_start3A_175 = arith.constant 0 : i32
      %dma_start3A_176 = arith.constant 0 : i32
      %dma_start3A_177 = arith.constant 0 : i32
      %dma_start3A_178 = tpu.memref_slice %arg8[%dma_start3A_173, %dma_start3A_174, %dma_start3A_175, %dma_start3A_176, %dma_start3A_177] : memref<4x4x1x8x129xf32, #tpu.memory_space<vmem>> -> memref<4x4x1x8x128xf32, #tpu.memory_space<vmem>>
      %dma_start3A_179 = arith.constant 0 : i32
      %dma_start3A_180 = arith.constant 0 : i32
      %dma_start3A_181 = arith.constant 0 : i32
      %dma_start3A_182 = tpu.memref_slice %arg4[%mul3A_172, %dma_start3A_179, %add3A, %dma_start3A_180, %dma_start3A_181] : memref<200x4x32x8x128xf32, #tpu.memory_space<hbm>> -> memref<4x4x1x8x128xf32, #tpu.memory_space<hbm>>
      %dma_start3A_183 = arith.constant 0 : i32
      %dma_start3A_184 = arith.constant 0 : i32
      %dma_start3A_185 = arith.constant 0 : i32
      %dma_start3A_186 = tpu.memref_slice %arg4[%mul3A_172, %dma_start3A_183, %add3A, %dma_start3A_184, %dma_start3A_185] : memref<200x4x32x8x128xf32, #tpu.memory_space<hbm>> -> memref<4x4x1x8x128xf32, #tpu.memory_space<hbm>>
      %dma_start3A_187 = arith.constant 0 : i32
      %dma_start3A_188 = arith.constant 0 : i32
      %dma_start3A_189 = arith.constant 0 : i32
      %dma_start3A_190 = arith.constant 0 : i32
      %dma_start3A_191 = arith.constant 0 : i32
      %dma_start3A_192 = tpu.memref_slice %arg8[%dma_start3A_187, %dma_start3A_188, %dma_start3A_189, %dma_start3A_190, %dma_start3A_191] : memref<4x4x1x8x129xf32, #tpu.memory_space<vmem>> -> memref<4x4x1x8x128xf32, #tpu.memory_space<vmem>>
      tpu.enqueue_dma source(%dma_start3A_192 : memref<4x4x1x8x128xf32, #tpu.memory_space<vmem>>) target(%dma_start3A_186 : memref<4x4x1x8x128xf32, #tpu.memory_space<hbm>>) target_semaphore(%arg12 : memref<!tpu.dma_semaphore, #tpu.memory_space<semaphore_mem>>)
      %mul3A_193 = arith.constant 2 : i32
      %mul3A_194 = arith.muli %mul3A_193, %scan3A_106 : i32
      %add3A_195 = arith.constant 1 : i32
      %add3A_196 = arith.addi %mul3A_194, %add3A_195 : i32
      %add3A_197 = arith.constant 1 : i32
      %add3A_198 = arith.addi %add3A_196, %add3A_197 : i32
      %lt3A_199 = arith.constant 50 : i32
      %lt3A_200 = arith.cmpi slt, %add3A_198, %lt3A_199 : i32
      %convert_element_type3A_201 = arith.extui %lt3A_200 : i1 to i32
      %cond3A_202 = arith.constant 0 : i32
      %cond3A_203 = arith.cmpi ne, %convert_element_type3A_201, %cond3A_202 : i32
      scf.if %cond3A_203 {
        %add3A_286 = arith.constant 1 : i32
        %add3A_287 = arith.addi %add3A_196, %add3A_286 : i32
        %mul3A_288 = arith.constant 4 : i32
        %mul3A_289 = arith.muli %add3A_287, %mul3A_288 : i32
        %add3A_290 = arith.constant 0 : i32
        %add3A_291 = arith.addi %mul3A_289, %add3A_290 : i32
        %dma_start3A_292 = arith.constant 0 : i32
        %dma_start3A_293 = arith.constant 0 : i32
        %dma_start3A_294 = tpu.memref_slice %arg6[%dma_start3A_292, %dma_start3A_293] : memref<512x32xf32, #tpu.memory_space<vmem>> -> memref<128x32xf32, #tpu.memory_space<vmem>>
        %dma_start3A_295 = arith.constant 0 : i32
        %dma_start3A_296 = tpu.memref_slice %arg5[%add3A_291, %dma_start3A_295] : memref<200x128xi32, #tpu.memory_space<vmem>> -> memref<1x128xi32, #tpu.memory_space<vmem>>
        %dma_start3A_297 = tpu.memref_squeeze %dma_start3A_296 : memref<1x128xi32, #tpu.memory_space<vmem>> -> memref<128xi32, #tpu.memory_space<vmem>>
        %dma_start3A_298 = arith.constant 0 : i32
        %dma_start3A_299 = arith.constant 0 : i32
        %dma_start3A_300 = tpu.memref_slice %arg3[%dma_start3A_298, %dma_start3A_299] : memref<1000000x32xf32, #tpu.memory_space<hbm>> -> memref<1000000x32xf32, #tpu.memory_space<hbm>>
        tpu.enqueue_indirect_dma source(%dma_start3A_300 : memref<1000000x32xf32, #tpu.memory_space<hbm>>) target(%dma_start3A_294 : memref<128x32xf32, #tpu.memory_space<vmem>>) offsets(%dma_start3A_297 : memref<128xi32, #tpu.memory_space<vmem>>) semaphore(%arg10 : memref<!tpu.dma_semaphore, #tpu.memory_space<semaphore_mem>>)
        %mul3A_301 = arith.constant 4 : i32
        %mul3A_302 = arith.muli %add3A_287, %mul3A_301 : i32
        %add3A_303 = arith.constant 1 : i32
        %add3A_304 = arith.addi %mul3A_302, %add3A_303 : i32
        %dma_start3A_305 = arith.constant 128 : i32
        %dma_start3A_306 = arith.constant 0 : i32
        %dma_start3A_307 = tpu.memref_slice %arg6[%dma_start3A_305, %dma_start3A_306] : memref<512x32xf32, #tpu.memory_space<vmem>> -> memref<128x32xf32, #tpu.memory_space<vmem>>
        %dma_start3A_308 = arith.constant 0 : i32
        %dma_start3A_309 = tpu.memref_slice %arg5[%add3A_304, %dma_start3A_308] : memref<200x128xi32, #tpu.memory_space<vmem>> -> memref<1x128xi32, #tpu.memory_space<vmem>>
        %dma_start3A_310 = tpu.memref_squeeze %dma_start3A_309 : memref<1x128xi32, #tpu.memory_space<vmem>> -> memref<128xi32, #tpu.memory_space<vmem>>
        %dma_start3A_311 = arith.constant 0 : i32
        %dma_start3A_312 = arith.constant 0 : i32
        %dma_start3A_313 = tpu.memref_slice %arg3[%dma_start3A_311, %dma_start3A_312] : memref<1000000x32xf32, #tpu.memory_space<hbm>> -> memref<1000000x32xf32, #tpu.memory_space<hbm>>
        tpu.enqueue_indirect_dma source(%dma_start3A_313 : memref<1000000x32xf32, #tpu.memory_space<hbm>>) target(%dma_start3A_307 : memref<128x32xf32, #tpu.memory_space<vmem>>) offsets(%dma_start3A_310 : memref<128xi32, #tpu.memory_space<vmem>>) semaphore(%arg10 : memref<!tpu.dma_semaphore, #tpu.memory_space<semaphore_mem>>)
        %mul3A_314 = arith.constant 4 : i32
        %mul3A_315 = arith.muli %add3A_287, %mul3A_314 : i32
        %add3A_316 = arith.constant 2 : i32
        %add3A_317 = arith.addi %mul3A_315, %add3A_316 : i32
        %dma_start3A_318 = arith.constant 256 : i32
        %dma_start3A_319 = arith.constant 0 : i32
        %dma_start3A_320 = tpu.memref_slice %arg6[%dma_start3A_318, %dma_start3A_319] : memref<512x32xf32, #tpu.memory_space<vmem>> -> memref<128x32xf32, #tpu.memory_space<vmem>>
        %dma_start3A_321 = arith.constant 0 : i32
        %dma_start3A_322 = tpu.memref_slice %arg5[%add3A_317, %dma_start3A_321] : memref<200x128xi32, #tpu.memory_space<vmem>> -> memref<1x128xi32, #tpu.memory_space<vmem>>
        %dma_start3A_323 = tpu.memref_squeeze %dma_start3A_322 : memref<1x128xi32, #tpu.memory_space<vmem>> -> memref<128xi32, #tpu.memory_space<vmem>>
        %dma_start3A_324 = arith.constant 0 : i32
        %dma_start3A_325 = arith.constant 0 : i32
        %dma_start3A_326 = tpu.memref_slice %arg3[%dma_start3A_324, %dma_start3A_325] : memref<1000000x32xf32, #tpu.memory_space<hbm>> -> memref<1000000x32xf32, #tpu.memory_space<hbm>>
        tpu.enqueue_indirect_dma source(%dma_start3A_326 : memref<1000000x32xf32, #tpu.memory_space<hbm>>) target(%dma_start3A_320 : memref<128x32xf32, #tpu.memory_space<vmem>>) offsets(%dma_start3A_323 : memref<128xi32, #tpu.memory_space<vmem>>) semaphore(%arg10 : memref<!tpu.dma_semaphore, #tpu.memory_space<semaphore_mem>>)
        %mul3A_327 = arith.constant 4 : i32
        %mul3A_328 = arith.muli %add3A_287, %mul3A_327 : i32
        %add3A_329 = arith.constant 3 : i32
        %add3A_330 = arith.addi %mul3A_328, %add3A_329 : i32
        %dma_start3A_331 = arith.constant 384 : i32
        %dma_start3A_332 = arith.constant 0 : i32
        %dma_start3A_333 = tpu.memref_slice %arg6[%dma_start3A_331, %dma_start3A_332] : memref<512x32xf32, #tpu.memory_space<vmem>> -> memref<128x32xf32, #tpu.memory_space<vmem>>
        %dma_start3A_334 = arith.constant 0 : i32
        %dma_start3A_335 = tpu.memref_slice %arg5[%add3A_330, %dma_start3A_334] : memref<200x128xi32, #tpu.memory_space<vmem>> -> memref<1x128xi32, #tpu.memory_space<vmem>>
        %dma_start3A_336 = tpu.memref_squeeze %dma_start3A_335 : memref<1x128xi32, #tpu.memory_space<vmem>> -> memref<128xi32, #tpu.memory_space<vmem>>
        %dma_start3A_337 = arith.constant 0 : i32
        %dma_start3A_338 = arith.constant 0 : i32
        %dma_start3A_339 = tpu.memref_slice %arg3[%dma_start3A_337, %dma_start3A_338] : memref<1000000x32xf32, #tpu.memory_space<hbm>> -> memref<1000000x32xf32, #tpu.memory_space<hbm>>
        tpu.enqueue_indirect_dma source(%dma_start3A_339 : memref<1000000x32xf32, #tpu.memory_space<hbm>>) target(%dma_start3A_333 : memref<128x32xf32, #tpu.memory_space<vmem>>) offsets(%dma_start3A_336 : memref<128xi32, #tpu.memory_space<vmem>>) semaphore(%arg10 : memref<!tpu.dma_semaphore, #tpu.memory_space<semaphore_mem>>)
      } else {
      }
      %mul3A_204 = arith.constant 4 : i32
      %mul3A_205 = arith.muli %add3A_196, %mul3A_204 : i32
      %add3A_206 = arith.constant 0 : i32
      %add3A_207 = arith.addi %mul3A_205, %add3A_206 : i32
      %dma_wait3A_208 = arith.constant 0 : i32
      %dma_wait3A_209 = arith.constant 0 : i32
      %dma_wait3A_210 = tpu.memref_slice %arg7[%dma_wait3A_208, %dma_wait3A_209] : memref<512x32xf32, #tpu.memory_space<vmem>> -> memref<128x32xf32, #tpu.memory_space<vmem>>
      %dma_wait3A_211 = arith.constant 0 : i32
      %dma_wait3A_212 = tpu.memref_slice %arg5[%add3A_207, %dma_wait3A_211] : memref<200x128xi32, #tpu.memory_space<vmem>> -> memref<1x128xi32, #tpu.memory_space<vmem>>
      %dma_wait3A_213 = tpu.memref_squeeze %dma_wait3A_212 : memref<1x128xi32, #tpu.memory_space<vmem>> -> memref<128xi32, #tpu.memory_space<vmem>>
      %dma_wait3A_214 = arith.constant 0 : i32
      %dma_wait3A_215 = arith.constant 0 : i32
      %dma_wait3A_216 = tpu.memref_slice %arg3[%dma_wait3A_214, %dma_wait3A_215] : memref<1000000x32xf32, #tpu.memory_space<hbm>> -> memref<1000000x32xf32, #tpu.memory_space<hbm>>
      tpu.wait_indirect_dma semaphore(%arg11 : memref<!tpu.dma_semaphore, #tpu.memory_space<semaphore_mem>>) src(%dma_wait3A_216 : memref<1000000x32xf32, #tpu.memory_space<hbm>>) dst(%dma_wait3A_210 : memref<128x32xf32, #tpu.memory_space<vmem>>)
      %mul3A_217 = arith.constant 4 : i32
      %mul3A_218 = arith.muli %add3A_196, %mul3A_217 : i32
      %add3A_219 = arith.constant 1 : i32
      %add3A_220 = arith.addi %mul3A_218, %add3A_219 : i32
      %dma_wait3A_221 = arith.constant 128 : i32
      %dma_wait3A_222 = arith.constant 0 : i32
      %dma_wait3A_223 = tpu.memref_slice %arg7[%dma_wait3A_221, %dma_wait3A_222] : memref<512x32xf32, #tpu.memory_space<vmem>> -> memref<128x32xf32, #tpu.memory_space<vmem>>
      %dma_wait3A_224 = arith.constant 0 : i32
      %dma_wait3A_225 = tpu.memref_slice %arg5[%add3A_220, %dma_wait3A_224] : memref<200x128xi32, #tpu.memory_space<vmem>> -> memref<1x128xi32, #tpu.memory_space<vmem>>
      %dma_wait3A_226 = tpu.memref_squeeze %dma_wait3A_225 : memref<1x128xi32, #tpu.memory_space<vmem>> -> memref<128xi32, #tpu.memory_space<vmem>>
      %dma_wait3A_227 = arith.constant 0 : i32
      %dma_wait3A_228 = arith.constant 0 : i32
      %dma_wait3A_229 = tpu.memref_slice %arg3[%dma_wait3A_227, %dma_wait3A_228] : memref<1000000x32xf32, #tpu.memory_space<hbm>> -> memref<1000000x32xf32, #tpu.memory_space<hbm>>
      tpu.wait_indirect_dma semaphore(%arg11 : memref<!tpu.dma_semaphore, #tpu.memory_space<semaphore_mem>>) src(%dma_wait3A_229 : memref<1000000x32xf32, #tpu.memory_space<hbm>>) dst(%dma_wait3A_223 : memref<128x32xf32, #tpu.memory_space<vmem>>)
      %mul3A_230 = arith.constant 4 : i32
      %mul3A_231 = arith.muli %add3A_196, %mul3A_230 : i32
      %add3A_232 = arith.constant 2 : i32
      %add3A_233 = arith.addi %mul3A_231, %add3A_232 : i32
      %dma_wait3A_234 = arith.constant 256 : i32
      %dma_wait3A_235 = arith.constant 0 : i32
      %dma_wait3A_236 = tpu.memref_slice %arg7[%dma_wait3A_234, %dma_wait3A_235] : memref<512x32xf32, #tpu.memory_space<vmem>> -> memref<128x32xf32, #tpu.memory_space<vmem>>
      %dma_wait3A_237 = arith.constant 0 : i32
      %dma_wait3A_238 = tpu.memref_slice %arg5[%add3A_233, %dma_wait3A_237] : memref<200x128xi32, #tpu.memory_space<vmem>> -> memref<1x128xi32, #tpu.memory_space<vmem>>
      %dma_wait3A_239 = tpu.memref_squeeze %dma_wait3A_238 : memref<1x128xi32, #tpu.memory_space<vmem>> -> memref<128xi32, #tpu.memory_space<vmem>>
      %dma_wait3A_240 = arith.constant 0 : i32
      %dma_wait3A_241 = arith.constant 0 : i32
      %dma_wait3A_242 = tpu.memref_slice %arg3[%dma_wait3A_240, %dma_wait3A_241] : memref<1000000x32xf32, #tpu.memory_space<hbm>> -> memref<1000000x32xf32, #tpu.memory_space<hbm>>
      tpu.wait_indirect_dma semaphore(%arg11 : memref<!tpu.dma_semaphore, #tpu.memory_space<semaphore_mem>>) src(%dma_wait3A_242 : memref<1000000x32xf32, #tpu.memory_space<hbm>>) dst(%dma_wait3A_236 : memref<128x32xf32, #tpu.memory_space<vmem>>)
      %mul3A_243 = arith.constant 4 : i32
      %mul3A_244 = arith.muli %add3A_196, %mul3A_243 : i32
      %add3A_245 = arith.constant 3 : i32
      %add3A_246 = arith.addi %mul3A_244, %add3A_245 : i32
      %dma_wait3A_247 = arith.constant 384 : i32
      %dma_wait3A_248 = arith.constant 0 : i32
      %dma_wait3A_249 = tpu.memref_slice %arg7[%dma_wait3A_247, %dma_wait3A_248] : memref<512x32xf32, #tpu.memory_space<vmem>> -> memref<128x32xf32, #tpu.memory_space<vmem>>
      %dma_wait3A_250 = arith.constant 0 : i32
      %dma_wait3A_251 = tpu.memref_slice %arg5[%add3A_246, %dma_wait3A_250] : memref<200x128xi32, #tpu.memory_space<vmem>> -> memref<1x128xi32, #tpu.memory_space<vmem>>
      %dma_wait3A_252 = tpu.memref_squeeze %dma_wait3A_251 : memref<1x128xi32, #tpu.memory_space<vmem>> -> memref<128xi32, #tpu.memory_space<vmem>>
      %dma_wait3A_253 = arith.constant 0 : i32
      %dma_wait3A_254 = arith.constant 0 : i32
      %dma_wait3A_255 = tpu.memref_slice %arg3[%dma_wait3A_253, %dma_wait3A_254] : memref<1000000x32xf32, #tpu.memory_space<hbm>> -> memref<1000000x32xf32, #tpu.memory_space<hbm>>
      tpu.wait_indirect_dma semaphore(%arg11 : memref<!tpu.dma_semaphore, #tpu.memory_space<semaphore_mem>>) src(%dma_wait3A_255 : memref<1000000x32xf32, #tpu.memory_space<hbm>>) dst(%dma_wait3A_249 : memref<128x32xf32, #tpu.memory_space<vmem>>)
      %ge3A_256 = arith.constant 2 : i32
      %ge3A_257 = arith.cmpi sge, %add3A_196, %ge3A_256 : i32
      %convert_element_type3A_258 = arith.extui %ge3A_257 : i1 to i32
      %cond3A_259 = arith.constant 0 : i32
      %cond3A_260 = arith.cmpi ne, %convert_element_type3A_258, %cond3A_259 : i32
      scf.if %cond3A_260 {
        %sub3A = arith.constant 2 : i32
        %sub3A_286 = arith.subi %add3A_196, %sub3A : i32
        %mul3A_287 = arith.constant 4 : i32
        %mul3A_288 = arith.muli %sub3A_286, %mul3A_287 : i32
        %dma_wait3A_289 = arith.constant 0 : i32
        %dma_wait3A_290 = arith.constant 0 : i32
        %dma_wait3A_291 = arith.constant 0 : i32
        %dma_wait3A_292 = arith.constant 0 : i32
        %dma_wait3A_293 = arith.constant 0 : i32
        %dma_wait3A_294 = tpu.memref_slice %arg9[%dma_wait3A_289, %dma_wait3A_290, %dma_wait3A_291, %dma_wait3A_292, %dma_wait3A_293] : memref<4x4x1x8x129xf32, #tpu.memory_space<vmem>> -> memref<4x4x1x8x128xf32, #tpu.memory_space<vmem>>
        %dma_wait3A_295 = arith.constant 0 : i32
        %dma_wait3A_296 = arith.constant 0 : i32
        %dma_wait3A_297 = arith.constant 0 : i32
        %dma_wait3A_298 = tpu.memref_slice %arg4[%mul3A_288, %dma_wait3A_295, %add3A, %dma_wait3A_296, %dma_wait3A_297] : memref<200x4x32x8x128xf32, #tpu.memory_space<hbm>> -> memref<4x4x1x8x128xf32, #tpu.memory_space<hbm>>
        %dma_wait3A_299 = arith.constant 0 : i32
        %dma_wait3A_300 = arith.constant 0 : i32
        %dma_wait3A_301 = arith.constant 0 : i32
        %dma_wait3A_302 = tpu.memref_slice %arg4[%mul3A_288, %dma_wait3A_299, %add3A, %dma_wait3A_300, %dma_wait3A_301] : memref<200x4x32x8x128xf32, #tpu.memory_space<hbm>> -> memref<4x4x1x8x128xf32, #tpu.memory_space<hbm>>
        %dma_wait3A_303 = arith.constant 0 : i32
        %dma_wait3A_304 = arith.constant 0 : i32
        %dma_wait3A_305 = arith.constant 0 : i32
        %dma_wait3A_306 = arith.constant 0 : i32
        %dma_wait3A_307 = arith.constant 0 : i32
        %dma_wait3A_308 = tpu.memref_slice %arg9[%dma_wait3A_303, %dma_wait3A_304, %dma_wait3A_305, %dma_wait3A_306, %dma_wait3A_307] : memref<4x4x1x8x129xf32, #tpu.memory_space<vmem>> -> memref<4x4x1x8x128xf32, #tpu.memory_space<vmem>>
        tpu.wait_dma2 semaphore(%arg13 : memref<!tpu.dma_semaphore, #tpu.memory_space<semaphore_mem>>) src(%dma_wait3A_308 : memref<4x4x1x8x128xf32, #tpu.memory_space<vmem>>) dst(%dma_wait3A_302 : memref<4x4x1x8x128xf32, #tpu.memory_space<hbm>>)
      } else {
      }
      %parallel_loop3A_261 = arith.constant 0 : i32
      %parallel_loop3A_262 = arith.constant 128 : i32
      %parallel_loop3A_263 = arith.constant 1 : i32
      scf.for %parallel_loop3A_286 = %parallel_loop3A_261 to %parallel_loop3A_262 step %parallel_loop3A_263  : i32 {
        %parallel_loop3A_287 = vector.broadcast %parallel_loop3A_286 : i32 to vector<16xi32>
        %parallel_loop3A_288 = arith.addi %mul3A_3, %parallel_loop3A_287 : vector<16xi32>
        %parallel_loop3A_289 = arith.constant 0 : i32
        %parallel_loop3A_290 = vector.broadcast %parallel_loop3A_289 : i32 to vector<16xi32>
        %parallel_loop3A_291 = arith.addi %mul3A_3, %parallel_loop3A_290 : vector<16xi32>
        %parallel_loop3A_292 = arith.constant 0 : i32
        %parallel_loop3A_293 = arith.addi %parallel_loop3A_292, %parallel_loop3A_286 : i32
        %parallel_loop3A_294 = arith.index_cast %parallel_loop3A_293 : i32 to index
        %parallel_loop3A_295 = arith.constant 0 : index
        %parallel_loop3A_296 = tpu.vector_load %arg7[%parallel_loop3A_294, %parallel_loop3A_295] {strides = array<i32>} : memref<512x32xf32, #tpu.memory_space<vmem>>, vector<16xf32>,
        tpu.vector_store_idx %arg9[%parallel_loop3A_291, %shift_right_arithmetic3A_7, %mul3A_3, %and3A_15, %parallel_loop3A_288], %parallel_loop3A_296 : memref<4x4x1x8x129xf32, #tpu.memory_space<vmem>>[vector<16xi32>, vector<16xi32>, vector<16xi32>, vector<16xi32>, vector<16xi32>], vector<16xf32>,
        %parallel_loop3A_297 = arith.index_cast %parallel_loop3A_293 : i32 to index
        %parallel_loop3A_298 = arith.constant 16 : index
        %parallel_loop3A_299 = tpu.vector_load %arg7[%parallel_loop3A_297, %parallel_loop3A_298] {strides = array<i32>} : memref<512x32xf32, #tpu.memory_space<vmem>>, vector<16xf32>,
        tpu.vector_store_idx %arg9[%parallel_loop3A_291, %add3A_13, %mul3A_3, %and3A_18, %parallel_loop3A_288], %parallel_loop3A_299 : memref<4x4x1x8x129xf32, #tpu.memory_space<vmem>>[vector<16xi32>, vector<16xi32>, vector<16xi32>, vector<16xi32>, vector<16xi32>], vector<16xf32>,
        %parallel_loop3A_300 = arith.constant 1 : i32
        %parallel_loop3A_301 = vector.broadcast %parallel_loop3A_300 : i32 to vector<16xi32>
        %parallel_loop3A_302 = arith.addi %mul3A_3, %parallel_loop3A_301 : vector<16xi32>
        %parallel_loop3A_303 = arith.constant 128 : i32
        %parallel_loop3A_304 = arith.addi %parallel_loop3A_303, %parallel_loop3A_286 : i32
        %parallel_loop3A_305 = arith.index_cast %parallel_loop3A_304 : i32 to index
        %parallel_loop3A_306 = arith.constant 0 : index
        %parallel_loop3A_307 = tpu.vector_load %arg7[%parallel_loop3A_305, %parallel_loop3A_306] {strides = array<i32>} : memref<512x32xf32, #tpu.memory_space<vmem>>, vector<16xf32>,
        tpu.vector_store_idx %arg9[%parallel_loop3A_302, %shift_right_arithmetic3A_7, %mul3A_3, %and3A_15, %parallel_loop3A_288], %parallel_loop3A_307 : memref<4x4x1x8x129xf32, #tpu.memory_space<vmem>>[vector<16xi32>, vector<16xi32>, vector<16xi32>, vector<16xi32>, vector<16xi32>], vector<16xf32>,
        %parallel_loop3A_308 = arith.index_cast %parallel_loop3A_304 : i32 to index
        %parallel_loop3A_309 = arith.constant 16 : index
        %parallel_loop3A_310 = tpu.vector_load %arg7[%parallel_loop3A_308, %parallel_loop3A_309] {strides = array<i32>} : memref<512x32xf32, #tpu.memory_space<vmem>>, vector<16xf32>,
        tpu.vector_store_idx %arg9[%parallel_loop3A_302, %add3A_13, %mul3A_3, %and3A_18, %parallel_loop3A_288], %parallel_loop3A_310 : memref<4x4x1x8x129xf32, #tpu.memory_space<vmem>>[vector<16xi32>, vector<16xi32>, vector<16xi32>, vector<16xi32>, vector<16xi32>], vector<16xf32>,
        %parallel_loop3A_311 = arith.constant 2 : i32
        %parallel_loop3A_312 = vector.broadcast %parallel_loop3A_311 : i32 to vector<16xi32>
        %parallel_loop3A_313 = arith.addi %mul3A_3, %parallel_loop3A_312 : vector<16xi32>
        %parallel_loop3A_314 = arith.constant 256 : i32
        %parallel_loop3A_315 = arith.addi %parallel_loop3A_314, %parallel_loop3A_286 : i32
        %parallel_loop3A_316 = arith.index_cast %parallel_loop3A_315 : i32 to index
        %parallel_loop3A_317 = arith.constant 0 : index
        %parallel_loop3A_318 = tpu.vector_load %arg7[%parallel_loop3A_316, %parallel_loop3A_317] {strides = array<i32>} : memref<512x32xf32, #tpu.memory_space<vmem>>, vector<16xf32>,
        tpu.vector_store_idx %arg9[%parallel_loop3A_313, %shift_right_arithmetic3A_7, %mul3A_3, %and3A_15, %parallel_loop3A_288], %parallel_loop3A_318 : memref<4x4x1x8x129xf32, #tpu.memory_space<vmem>>[vector<16xi32>, vector<16xi32>, vector<16xi32>, vector<16xi32>, vector<16xi32>], vector<16xf32>,
        %parallel_loop3A_319 = arith.index_cast %parallel_loop3A_315 : i32 to index
        %parallel_loop3A_320 = arith.constant 16 : index
        %parallel_loop3A_321 = tpu.vector_load %arg7[%parallel_loop3A_319, %parallel_loop3A_320] {strides = array<i32>} : memref<512x32xf32, #tpu.memory_space<vmem>>, vector<16xf32>,
        tpu.vector_store_idx %arg9[%parallel_loop3A_313, %add3A_13, %mul3A_3, %and3A_18, %parallel_loop3A_288], %parallel_loop3A_321 : memref<4x4x1x8x129xf32, #tpu.memory_space<vmem>>[vector<16xi32>, vector<16xi32>, vector<16xi32>, vector<16xi32>, vector<16xi32>], vector<16xf32>,
        %parallel_loop3A_322 = arith.constant 3 : i32
        %parallel_loop3A_323 = vector.broadcast %parallel_loop3A_322 : i32 to vector<16xi32>
        %parallel_loop3A_324 = arith.addi %mul3A_3, %parallel_loop3A_323 : vector<16xi32>
        %parallel_loop3A_325 = arith.constant 384 : i32
        %parallel_loop3A_326 = arith.addi %parallel_loop3A_325, %parallel_loop3A_286 : i32
        %parallel_loop3A_327 = arith.index_cast %parallel_loop3A_326 : i32 to index
        %parallel_loop3A_328 = arith.constant 0 : index
        %parallel_loop3A_329 = tpu.vector_load %arg7[%parallel_loop3A_327, %parallel_loop3A_328] {strides = array<i32>} : memref<512x32xf32, #tpu.memory_space<vmem>>, vector<16xf32>,
        tpu.vector_store_idx %arg9[%parallel_loop3A_324, %shift_right_arithmetic3A_7, %mul3A_3, %and3A_15, %parallel_loop3A_288], %parallel_loop3A_329 : memref<4x4x1x8x129xf32, #tpu.memory_space<vmem>>[vector<16xi32>, vector<16xi32>, vector<16xi32>, vector<16xi32>, vector<16xi32>], vector<16xf32>,
        %parallel_loop3A_330 = arith.index_cast %parallel_loop3A_326 : i32 to index
        %parallel_loop3A_331 = arith.constant 16 : index
        %parallel_loop3A_332 = tpu.vector_load %arg7[%parallel_loop3A_330, %parallel_loop3A_331] {strides = array<i32>} : memref<512x32xf32, #tpu.memory_space<vmem>>, vector<16xf32>,
        tpu.vector_store_idx %arg9[%parallel_loop3A_324, %add3A_13, %mul3A_3, %and3A_18, %parallel_loop3A_288], %parallel_loop3A_332 : memref<4x4x1x8x129xf32, #tpu.memory_space<vmem>>[vector<16xi32>, vector<16xi32>, vector<16xi32>, vector<16xi32>, vector<16xi32>], vector<16xf32>,
      } {sc.loop_unroll_factor = 2 : i64, sc.parallel_access}
      %mul3A_264 = arith.constant 4 : i32
      %mul3A_265 = arith.muli %add3A_196, %mul3A_264 : i32
      %dma_start3A_266 = arith.constant 0 : i32
      %dma_start3A_267 = arith.constant 0 : i32
      %dma_start3A_268 = arith.constant 0 : i32
      %dma_start3A_269 = arith.constant 0 : i32
      %dma_start3A_270 = arith.constant 0 : i32
      %dma_start3A_271 = tpu.memref_slice %arg9[%dma_start3A_266, %dma_start3A_267, %dma_start3A_268, %dma_start3A_269, %dma_start3A_270] : memref<4x4x1x8x129xf32, #tpu.memory_space<vmem>> -> memref<4x4x1x8x128xf32, #tpu.memory_space<vmem>>
      %dma_start3A_272 = arith.constant 0 : i32
      %dma_start3A_273 = arith.constant 0 : i32
      %dma_start3A_274 = arith.constant 0 : i32
      %dma_start3A_275 = tpu.memref_slice %arg4[%mul3A_265, %dma_start3A_272, %add3A, %dma_start3A_273, %dma_start3A_274] : memref<200x4x32x8x128xf32, #tpu.memory_space<hbm>> -> memref<4x4x1x8x128xf32, #tpu.memory_space<hbm>>
      %dma_start3A_276 = arith.constant 0 : i32
      %dma_start3A_277 = arith.constant 0 : i32
      %dma_start3A_278 = arith.constant 0 : i32
      %dma_start3A_279 = tpu.memref_slice %arg4[%mul3A_265, %dma_start3A_276, %add3A, %dma_start3A_277, %dma_start3A_278] : memref<200x4x32x8x128xf32, #tpu.memory_space<hbm>> -> memref<4x4x1x8x128xf32, #tpu.memory_space<hbm>>
      %dma_start3A_280 = arith.constant 0 : i32
      %dma_start3A_281 = arith.constant 0 : i32
      %dma_start3A_282 = arith.constant 0 : i32
      %dma_start3A_283 = arith.constant 0 : i32
      %dma_start3A_284 = arith.constant 0 : i32
      %dma_start3A_285 = tpu.memref_slice %arg9[%dma_start3A_280, %dma_start3A_281, %dma_start3A_282, %dma_start3A_283, %dma_start3A_284] : memref<4x4x1x8x129xf32, #tpu.memory_space<vmem>> -> memref<4x4x1x8x128xf32, #tpu.memory_space<vmem>>
      tpu.enqueue_dma source(%dma_start3A_285 : memref<4x4x1x8x128xf32, #tpu.memory_space<vmem>>) target(%dma_start3A_279 : memref<4x4x1x8x128xf32, #tpu.memory_space<hbm>>) target_semaphore(%arg13 : memref<!tpu.dma_semaphore, #tpu.memory_space<semaphore_mem>>)
    }
    %scan3A_62 = arith.constant 25 : i32
    %dma_wait3A = arith.constant 0 : i32
    %dma_wait3A_63 = arith.constant 0 : i32
    %dma_wait3A_64 = arith.constant 0 : i32
    %dma_wait3A_65 = arith.constant 0 : i32
    %dma_wait3A_66 = arith.constant 0 : i32
    %dma_wait3A_67 = tpu.memref_slice %arg8[%dma_wait3A, %dma_wait3A_63, %dma_wait3A_64, %dma_wait3A_65, %dma_wait3A_66] : memref<4x4x1x8x129xf32, #tpu.memory_space<vmem>> -> memref<4x4x1x8x128xf32, #tpu.memory_space<vmem>>
    %dma_wait3A_68 = arith.constant 192 : i32
    %dma_wait3A_69 = arith.constant 0 : i32
    %dma_wait3A_70 = arith.constant 0 : i32
    %dma_wait3A_71 = arith.constant 0 : i32
    %dma_wait3A_72 = tpu.memref_slice %arg4[%dma_wait3A_68, %dma_wait3A_69, %add3A, %dma_wait3A_70, %dma_wait3A_71] : memref<200x4x32x8x128xf32, #tpu.memory_space<hbm>> -> memref<4x4x1x8x128xf32, #tpu.memory_space<hbm>>
    %dma_wait3A_73 = arith.constant 192 : i32
    %dma_wait3A_74 = arith.constant 0 : i32
    %dma_wait3A_75 = arith.constant 0 : i32
    %dma_wait3A_76 = arith.constant 0 : i32
    %dma_wait3A_77 = tpu.memref_slice %arg4[%dma_wait3A_73, %dma_wait3A_74, %add3A, %dma_wait3A_75, %dma_wait3A_76] : memref<200x4x32x8x128xf32, #tpu.memory_space<hbm>> -> memref<4x4x1x8x128xf32, #tpu.memory_space<hbm>>
    %dma_wait3A_78 = arith.constant 0 : i32
    %dma_wait3A_79 = arith.constant 0 : i32
    %dma_wait3A_80 = arith.constant 0 : i32
    %dma_wait3A_81 = arith.constant 0 : i32
    %dma_wait3A_82 = arith.constant 0 : i32
    %dma_wait3A_83 = tpu.memref_slice %arg8[%dma_wait3A_78, %dma_wait3A_79, %dma_wait3A_80, %dma_wait3A_81, %dma_wait3A_82] : memref<4x4x1x8x129xf32, #tpu.memory_space<vmem>> -> memref<4x4x1x8x128xf32, #tpu.memory_space<vmem>>
    tpu.wait_dma2 semaphore(%arg12 : memref<!tpu.dma_semaphore, #tpu.memory_space<semaphore_mem>>) src(%dma_wait3A_83 : memref<4x4x1x8x128xf32, #tpu.memory_space<vmem>>) dst(%dma_wait3A_77 : memref<4x4x1x8x128xf32, #tpu.memory_space<hbm>>)
    %dma_wait3A_84 = arith.constant 0 : i32
    %dma_wait3A_85 = arith.constant 0 : i32
    %dma_wait3A_86 = arith.constant 0 : i32
    %dma_wait3A_87 = arith.constant 0 : i32
    %dma_wait3A_88 = arith.constant 0 : i32
    %dma_wait3A_89 = tpu.memref_slice %arg9[%dma_wait3A_84, %dma_wait3A_85, %dma_wait3A_86, %dma_wait3A_87, %dma_wait3A_88] : memref<4x4x1x8x129xf32, #tpu.memory_space<vmem>> -> memref<4x4x1x8x128xf32, #tpu.memory_space<vmem>>
    %dma_wait3A_90 = arith.constant 196 : i32
    %dma_wait3A_91 = arith.constant 0 : i32
    %dma_wait3A_92 = arith.constant 0 : i32
    %dma_wait3A_93 = arith.constant 0 : i32
    %dma_wait3A_94 = tpu.memref_slice %arg4[%dma_wait3A_90, %dma_wait3A_91, %add3A, %dma_wait3A_92, %dma_wait3A_93] : memref<200x4x32x8x128xf32, #tpu.memory_space<hbm>> -> memref<4x4x1x8x128xf32, #tpu.memory_space<hbm>>
    %dma_wait3A_95 = arith.constant 196 : i32
    %dma_wait3A_96 = arith.constant 0 : i32
    %dma_wait3A_97 = arith.constant 0 : i32
    %dma_wait3A_98 = arith.constant 0 : i32
    %dma_wait3A_99 = tpu.memref_slice %arg4[%dma_wait3A_95, %dma_wait3A_96, %add3A, %dma_wait3A_97, %dma_wait3A_98] : memref<200x4x32x8x128xf32, #tpu.memory_space<hbm>> -> memref<4x4x1x8x128xf32, #tpu.memory_space<hbm>>
    %dma_wait3A_100 = arith.constant 0 : i32
    %dma_wait3A_101 = arith.constant 0 : i32
    %dma_wait3A_102 = arith.constant 0 : i32
    %dma_wait3A_103 = arith.constant 0 : i32
    %dma_wait3A_104 = arith.constant 0 : i32
    %dma_wait3A_105 = tpu.memref_slice %arg9[%dma_wait3A_100, %dma_wait3A_101, %dma_wait3A_102, %dma_wait3A_103, %dma_wait3A_104] : memref<4x4x1x8x129xf32, #tpu.memory_space<vmem>> -> memref<4x4x1x8x128xf32, #tpu.memory_space<vmem>>
    tpu.wait_dma2 semaphore(%arg13 : memref<!tpu.dma_semaphore, #tpu.memory_space<semaphore_mem>>) src(%dma_wait3A_105 : memref<4x4x1x8x128xf32, #tpu.memory_space<vmem>>) dst(%dma_wait3A_99 : memref<4x4x1x8x128xf32, #tpu.memory_space<hbm>>)
    return
  }
}

</mosaic_0001>

<sc_bundles>
// kernel: kernel.3.cloned.1.call-start
scs
__scs_entry_jumppad:
0x0: {  	(pc) =	sbr.rel $0x88, $3  }
0x1: {  	(tag) =	ssettag $0x0;
	lr =	simm.s32 $0x1  }
0x2: {  	[smem:$0x3F9F] =	sst lr;
	_ =	strace $0xD0000000  }
0x3: {  	_ = 	snop  }
0x4: {  	_ = 	snop  }
0x5: {  	_ = 	snop  }
0x6: {  	_ = 	snop  }
0x7: {  	_ = 	snop  }
__scs_overlays_trampoline_lowered:
0x8: {  	[smem:$0x3FAE] =	sst s0  }
0x9: {  	[smem:$0x3FAF] =	sst s1  }
0xa: {  	[smem:$0x3FB0] =	sst s2  }
0xb: {  	[smem:$0x3FB1] =	sst s3  }
0xc: {  	[smem:$0x3FB2] =	sst s4  }
0xd: {  	[smem:$0x3FB3] =	sst s5  }
0xe: {  	[smem:$0x3FB4] =	sst s6  }
0xf: {  	[smem:$0x3FB5] =	sst s7  }
0x10: {  	[smem:$0x3FB6] =	sst s8  }
0x11: {  	[smem:$0x3FB7] =	sst s9;
	s0 =	simm.s32 @!p0 $0x0  }
0x12: {  	s1 =	sld [smem:$0x3F9D];
	s0 =	simm.s32 @p0 $0x1  }
0x13: {  	[smem:$0x3FB8] =	sst s0;
	s0 =	simm.s32 @!p1 $0x0  }
0x14: {  	s2 =	sld [smem:$0x3F9C];
	s0 =	simm.s32 @p1 $0x1  }
0x15: {  	[smem:$0x3FB9] =	sst s0;
	s0 =	simm.s32 @!p2 $0x0  }
0x16: {  	s3 =	sld [smem:$0x3FDB];
	s0 =	simm.s32 @p2 $0x1  }
0x17: {  	s4 =	simm.s32 $0x1BF5;
	[smem:$0x3FBB] =	sst s0  }
0x18: {  	s0 =	sld [smem:$0x3F9E];
	_ =	swait.ge [sflag:s4], $0x0  }
0x19: {  	s7 =	sld [smem:$0x3F9F]  }
0x1a: {  	s8 =	sadd.s32 $0xFFFFE003, lr  }
0x1b: {  	s9 =	sadd.s32 $0xFFFFFEF7, lr;
	s5 =	simm.s32 $0xFFFFFFFF;
	p2 =	slt.u32 s8, $0xFFFFF086  }
0x1c: {  	p1 =	slt.u32 s9, $0xF7A;
	s5 =	simm.s32 @!p2 $0x0  }
0x1d: {  	s5 =	simm.s32 @p1 $0x1;
	p0 =	seq.s32 s7, s2  }
0x1e: {  	s7 =	smul.u32 @!p0 $0xF7A, s2;
	p2 =	seq.s32 @!p0 s5, $0x0  }
0x1f: {  	s9 =	smul.u32 $0xF7A, s1;
	s8 =	simm.s32 @!p0 $0x1BF5;
	p2 =	por !p2, p0  }
0x20: {  	[sflag:s8] =	ssyncset.s32 @!p0 $0xFFFFF086;
	s6 =	sadd.s32 @!p0 s3, s7;
	s7 =	simm.s32 @!p0 $0x108  }
0x21: {  	s3 =	sadd.s32 s3, s9;
	s6 =	sadd.s32 @!p0 $0x88, s6;
	s7 =	simm.s32 @p2 $0x1082  }
0x22: {  	[simem:s7], [sflag:s8] =	dma.local @!p0 [hbm:s6], $0xF7A  }
0x23: {  	s9 =	sor.u32 $0xD0000000, s2;
	s6 =	simm.s32 $0x108;
	_ =	swait.ge @!p0 [sflag:s8], $0x0  }
0x24: {  	s3 =	sadd.s32 $0x88, s3;
	s6 =	simm.s32 @!p1 $0x1082;
	[sflag:s4] =	ssyncset.s32 $0xFFFFF086  }
0x25: {  	[simem:s6], [sflag:s4] =	dma.local [hbm:s3], $0xF7A  }
0x26: {  	[smem:$0x3F9F] =	sst s1;
	(tag) =	ssettag s2;
	_ =	strace s9  }
0x27: {  	s1 =	sld [smem:$0x3FAF]  }
0x28: {  	s2 =	sld [smem:$0x3FB0]  }
0x29: {  	s4 =	sld [smem:$0x3FB2]  }
0x2a: {  	p0 =	seq.s32 s5, $0x0;
	s5 =	sld [smem:$0x3FB3]  }
0x2b: {  	s6 =	sld [smem:$0x3FB4]  }
0x2c: {  	s7 =	sld [smem:$0x3FB5]  }
0x2d: {  	s3 =	simm.s32 $0x108;
	s8 =	sld [smem:$0x3FB6]  }
0x2e: {  	s3 =	simm.s32 @!p0 $0x1082;
	s9 =	sld [smem:$0x3FB7]  }
0x2f: {  	lr =	sadd.s32 s0, s3;
	s0 =	sld [smem:$0x3FAE]  }
0x30: {  	s3 =	sld [smem:$0x3FB1]  }
0x31: {  	[smem:$0x3FBA] =	sst s10  }
0x32: {  	s10 =	sld [smem:$0x3FB8];
	_ =	sdelay $0x3  }
0x33: {  	p0 =	seq.s32 s10, $0x1;
	s10 =	sld [smem:$0x3FBA];
	_ =	sdelay $0x3  }
0x34: {  	[smem:$0x3FBA] =	sst s10  }
0x35: {  	s10 =	sld [smem:$0x3FB9];
	_ =	sdelay $0x3  }
0x36: {  	p1 =	seq.s32 s10, $0x1;
	s10 =	sld [smem:$0x3FBA];
	_ =	sdelay $0x3  }
0x37: {  	[smem:$0x3FBA] =	sst s10  }
0x38: {  	s10 =	sld [smem:$0x3FBB]  }
0x39: {  	_ = 	snop;
	(pc) =	sbr.ind lr, $3  }
0x3a: {  	_ = 	snop  }
0x3b: {  	_ = 	snop  }
0x3c: {  	p2 =	seq.s32 s10, $0x1;
	s10 =	sld [smem:$0x3FBA]  }
0x3d: {  	_ =	shalt  }
0x3e: {  	_ =	shalt  }
0x3f: {  	_ =	shalt  }
0x40: {  	_ =	shalt  }
0x41: {  	_ =	shalt  }
0x42: {  	_ =	shalt  }
0x43: {  	_ =	shalt  }
0x44: {  	_ =	shalt  }
0x45: {  	_ =	shalt  }
0x46: {  	_ =	shalt  }
0x47: {  	_ =	shalt  }
0x48: {  	_ =	shalt  }
0x49: {  	_ =	shalt  }
0x4a: {  	_ =	shalt  }
0x4b: {  	_ =	shalt  }
0x4c: {  	_ =	shalt  }
0x4d: {  	_ =	shalt  }
0x4e: {  	_ =	shalt  }
0x4f: {  	_ =	shalt  }
0x50: {  	_ =	shalt  }
0x51: {  	_ =	shalt  }
0x52: {  	_ =	shalt  }
0x53: {  	_ =	shalt  }
0x54: {  	_ =	shalt  }
0x55: {  	_ =	shalt  }
0x56: {  	_ =	shalt  }
0x57: {  	_ =	shalt  }
0x58: {  	_ =	shalt  }
0x59: {  	_ =	shalt  }
0x5a: {  	_ =	shalt  }
0x5b: {  	_ =	shalt  }
0x5c: {  	_ =	shalt  }
0x5d: {  	_ =	shalt  }
0x5e: {  	_ =	shalt  }
0x5f: {  	_ =	shalt  }
0x60: {  	_ =	shalt  }
0x61: {  	_ =	shalt  }
0x62: {  	_ =	shalt  }
0x63: {  	_ =	shalt  }
0x64: {  	_ =	shalt  }
0x65: {  	_ =	shalt  }
0x66: {  	_ =	shalt  }
0x67: {  	_ =	shalt  }
0x68: {  	_ =	shalt  }
0x69: {  	_ =	shalt  }
0x6a: {  	_ =	shalt  }
0x6b: {  	_ =	shalt  }
0x6c: {  	_ =	shalt  }
0x6d: {  	_ =	shalt  }
0x6e: {  	_ =	shalt  }
0x6f: {  	_ =	shalt  }
0x70: {  	_ =	shalt  }
0x71: {  	_ =	shalt  }
0x72: {  	_ =	shalt  }
0x73: {  	_ =	shalt  }
0x74: {  	_ =	shalt  }
0x75: {  	_ =	shalt  }
0x76: {  	_ =	shalt  }
0x77: {  	_ =	shalt  }
0x78: {  	_ =	shalt  }
0x79: {  	_ =	shalt  }
0x7a: {  	_ =	shalt  }
0x7b: {  	_ =	shalt  }
0x7c: {  	_ =	shalt  }
0x7d: {  	_ =	shalt  }
0x7e: {  	_ =	shalt  }
0x7f: {  	_ =	shalt  }
0x80: {  	_ =	shalt  }
0x81: {  	_ =	shalt  }
0x82: {  	_ =	shalt  }
0x83: {  	_ =	shalt  }
0x84: {  	_ =	shalt  }
0x85: {  	_ =	shalt  }
0x86: {  	_ =	shalt  }
0x87: {  	_ =	shalt  }
.Lfunc_end0:
.L_simem_size_0:
called_computation_lowered:
.L_overlay_start_0:
0x88: {  	s2 =	sld [smem:$0x3FD9]  }
0x89: {  	s3 =	sld [smem:$0x3FFE];
	_ =	sdelay $0x1  }
0x8a: {  	s1 =	srdreg.scid  }
0x8b: {  	s0 =	sand.u32 $0x1, s1  }
0x8c: {  	s17 =	sshll.u32 s0, $0xA;
	s2 =	sadd.s32 s3, s2  }
0x8d: {  	s2 =	sadd.s32 s2, s17  }
0x8e: {  	[smem:$0x3FC6] =	sst s2  }
0x8f: {  	_ = 	snop  }
0x90: {  	s2 =	sld [smem:$0x3FD0];
	(tm) =	ssettm $0x1  }
0x91: {  	s18 =	sld [smem:$0x3FFB];
	_ =	sdelay $0x3  }
0x92: {  	_ =	strace s18  }
0x93: {  	s3 =	sld [smem:$0x3FFC];
	_ =	sdelay $0x3  }
0x94: {  	_ =	strace s3  }
0x95: {  	s3 =	sld [smem:$0x3FFD];
	_ =	sdelay $0x3  }
0x96: {  	_ =	strace s3  }
0x97: {  	_ =	strace $0x8FFFFFFF  }
0x98: {  	s19 =	sld [smem:$0x3FDB];
	_ =	sdelay $0x1  }
0x99: {  	s4 =	simm.s32 $_scs_section_size  }
0x9a: {  	s5 =	simm.s32 $_size__tile_overlayer_lowered;
	s6 =	simm.s32 $_tile_overlayer_lowered  }
0x9b: {  	s22 =	simm.s32 $0x1BFF;
	s21 =	sshll.u32 s6, $0x1;
	s3 =	sadd.s32 s4, s19  }
0x9c: {  	s7 =	simm.s32 $0x0;
	s20 =	sshll.u32 s5, $0x1;
	s5 =	sadd.s32 s21, s3  }
0x9d: {  	[timem:s7], [sflag:s22] =	dma.local [hbm:s5], s20  }
0x9e: {  	_ =	swait.ge [sflag:s22], s20  }
0x9f: {  	s4 =	ssub.s32 $0x0, s20;
	[sflag:s22] =	ssyncset.done $0x0  }
0xa0: {  	[sflag:s22] =	ssyncadd.s32 s4;
	_ =	sdelay $0x1  }
0xa1: {  	s23 =	simm.s32 $0x1B8B  }
0xa2: {  	_ =	swait.ge [sflag:s23], $0x1  }
0xa3: {  	[sflag:s23] =	ssyncset.done $0x0  }
0xa4: {  	s25 =	simm.s32 $0x1B8E;
	s24 =	sld [smem:$0x3FFE];
	[sflag:s23] =	ssyncadd.s32 $0xFFFFFFFF  }
0xa5: {  	s26 =	simm.s32 $execute0_lowered;
	[smem:$0x3FD2] =	sst s25  }
0xa6: {  	s5 =	sshll.u32 s26, $0x1;
	_ =	strace $0x80000046;
	[dreg:$0x1] =	wrdreg $0xFFFFFFFF  }
0xa7: {  	s28 =	simm.s32 $_size_execute0_lowered;
	s3 =	sadd.s32 s3, s5;
	[dreg:$0x0] =	wrdreg $0x0  }
0xa8: {  	s5 =	sshll.u32 s28, $0x1;
	[dreg:$0x2] =	wrdreg s3  }
0xa9: {  	[dreg:$0x3] =	wrdreg s5  }
0xaa: {  	[dreg:$0x4] =	wrdreg $0xC0  }
0xab: {  	_ =	task [dreg:s7], $0x5FFFF  }
0xac: {  	[dreg:$0x1] =	wrdreg $0xFFFFFFFF  }
0xad: {  	[dreg:$0x0] =	wrdreg $0x60  }
0xae: {  	[dreg:$0x2] =	wrdreg s24  }
0xaf: {  	[dreg:$0x3] =	wrdreg s2  }
0xb0: {  	[dreg:$0x4] =	wrdreg $0x9  }
0xb1: {  	_ =	task.clear_ibuf [dreg:s7], $0x5FFFF;
	_ =	strace $0x90000046  }
0xb2: {  	s29 =	simm.s32 $0x9;
	_ =	strace $0x80000048  }
0xb3: {  	_ =	swait.ge [sflag:s29], $0x1  }
0xb4: {  	[sflag:s29] =	ssyncadd.s32 $0xFFFFFFFF  }
0xb5: {  	_ =	strace $0x90000048  }
0xb6: {  	_ =	sfence  }
0xb7: {  	s30 =	sld [smem:$0x0];
	_ =	sdelay $0x2  }
0xb8: {  	s31 =	sshll.u32 s1, $0xD;
	s1 =	sshrl.u32 s1, $0x2  }
0xb9: {  	s3 =	sand.u32 $0x4000, s31;
	s1 =	sadd.s32 s1, s30  }
0xba: {  	s0 =	sor.u32 s3, s0;
	s1 =	sshll.u32 s1, $0x11  }
0xbb: {  	s0 =	sor.u32 s1, s0  }
0xbc: {  	s0 =	sadd.s32 $0x8F2B, s0  }
0xbd: {  	[sflag:s0] =	ssyncadd.remote.s32 $0x1  }
0xbe: {  	_ =	sfence.sel $0xFFFF  }
0xbf: {  	[dreg:$0x0] =	wrdreg $0xFFFFFFFF;
	(pc) =	sbr.abs _section_cstart, $3  }
0xc0: {  	[dreg:$0x1] =	wrdreg $0xFFFFFFFF  }
0xc1: {  	_ =	task.clear_ibuf [dreg:s7], $0x2FFFF;
	_ =	strace $0x9FFFFFFF  }
0xc2: {  	(tm) =	ssettm $0x7FFFFFFF  }
0xc3: {  	_ =	shalt  }
tec
execute0_lowered:
.L_overlay_start_1:
0x0: {  	(tag) =	ssettag $0x1  }
0x1: {  	s0 =	rddreg [dreg:$0x0]  }
0x2: {  	s2 =	rddreg [dreg:$0x1];
	s1 =	srdreg.scid  }
0x3: {  	s4 =	stileid.u32;
	s3 =	simm.s32 $0x0;
	s8 =	simm.s32 $0x80  }
0x4: {  	s10 =	simm.s32 $0x5;
	s13 =	simm.s32 $0x100;
	s14 =	simm.s32 $0x8400  }
0x5: {  	s15 =	simm.s32 $0x180;
	s16 =	simm.s32 $0x9400;
	s17 =	simm.s32 $0xA400  }
0x6: {  	s18 =	simm.s32 $0xB400;
	s19 =	simm.s32 $0xC400;
	s20 =	simm.s32 $0xD400  }
0x7: {  	s21 =	simm.s32 $0x1;
	s22 =	simm.s32 $0xE400;
	s23 =	simm.s32 $0x2  }
0x8: {  	v0 =	vlaneseq.u32;
	s24 =	simm.s32 $0x12800;
	s25 =	simm.s32 $0x3;
	s26 =	simm.s32 $0x4  }
0x9: {  	s28 =	simm.s32 $0x0;
	s1 =	sand.u32 $0x1, s1;
	s4 =	sshll.u32 s4, $0x1;
	v0 =	vmul.u32 $0x88, v0  }
0xa: {  	[smem:$0x7FF] =	sst s3;
	s6 =	sor.u32 s1, s4;
	s1 =	ssub.s32 $0x2, s1  }
0xb: {  	_ =	strace $0x80000047;
	s4 =	sshll.u32 s6, $0x4;
	s31 =	sshrl.u32 s1, $0x1;
	v1 =	vadd.s32 $0x880, v0  }
0xc: {  	v2 =	vadd.s32 $0x1100, v0;
	v3 =	vadd.s32 $0x1980, v0;
	v4 =	vadd.s32 $0x2200, v0;
	s5 =	sadd.s32 s4, s0;
	s4 =	sadd.s32 $0xF42A00, s0;
	s0 =	ssub.s32 s1, s31  }
0xd: {  	s6 =	sshll.u32 s6, $0xA;
	v5 =	vadd.s32 $0x2A80, v0;
	v6 =	vadd.s32 $0x3300, v0;
	v7 =	vadd.s32 $0x3B80, v0;
	s5 =	sadd.s32 $0x600, s5;
	s7 =	smax.u32 s0, $0x1  }
.LBB2_1:
0xe: {  	s0 =	simm.s32 $0x1000  }
0xf: {  	[tilespmem:s3], [sflag:$0x5] =	stream.strided.gather [hbm4b:s5+s8], $0x6400, s0, s8, $0x38;
	[tilespmem:$0x16C00] =	vst v63  }
0x10: {  	_ =	swait.ge [sflag:s10], $0x6400  }
0x11: {  	[sflag:s10] =	ssyncset.done $0x0  }
0x12: {  	s30 =	simm.s32 $0x6400;
	[sflag:s10] =	ssyncadd.s32 $0xFFFF9C00  }
0x13: {  	[tilespmem:s30], [sflag:$0x1] =	stream.indirect.gather [hbm4b:s4+s8], $0x20, s3, s8, $0xb8;
	[tilespmem:$0x16C00] =	vst v63  }
0x14: {  	s31 =	simm.s32 $0x7400  }
0x15: {  	[tilespmem:s31], [sflag:$0x1] =	stream.indirect.gather [hbm4b:s4+s8], $0x20, s8, s8, $0xb8;
	[tilespmem:$0x16C00] =	vst v63  }
0x16: {  	_ = 	snop  }
0x17: {  	[tilespmem:s14], [sflag:$0x1] =	stream.indirect.gather [hbm4b:s4+s8], $0x20, s13, s8, $0xb8;
	[tilespmem:$0x16C00] =	vst v63  }
0x18: {  	s29 =	simm.s32 $0x0  }
0x19: {  	[tilespmem:s16], [sflag:$0x1] =	stream.indirect.gather [hbm4b:s4+s8], $0x20, s15, s8, $0xb8;
	[tilespmem:$0x16C00] =	vst v63  }
.LBB2_2:
0x1a: {  	s30 =	sshllo.u32 s29, $0x1  }
0x1b: {  	s0 =	sshll.u32 s30, $0x9  }
0x1c: {  	s0 =	sand.u32 $0x3FFFFE00, s0  }
0x1d: {  	[tilespmem:s17], [sflag:$0x2] =	stream.indirect.gather [hbm4b:s4+s8], $0x20, s0, s8, $0xb8;
	[tilespmem:$0x16C00] =	vst v63  }
0x1e: {  	s1 =	sor.u32 $0x80, s0  }
0x1f: {  	[tilespmem:s18], [sflag:$0x2] =	stream.indirect.gather [hbm4b:s4+s8], $0x20, s1, s8, $0xb8;
	[tilespmem:$0x16C00] =	vst v63  }
0x20: {  	s11 =	sor.u32 $0x100, s0  }
0x21: {  	[tilespmem:s19], [sflag:$0x2] =	stream.indirect.gather [hbm4b:s4+s8], $0x20, s11, s8, $0xb8;
	[tilespmem:$0x16C00] =	vst v63  }
0x22: {  	s0 =	sor.u32 $0x180, s0  }
0x23: {  	[tilespmem:s20], [sflag:$0x2] =	stream.indirect.gather [hbm4b:s4+s8], $0x20, s0, s8, $0xb8;
	[tilespmem:$0x16C00] =	vst v63  }
0x24: {  	_ =	swait.ge [sflag:s21], $0x1000  }
0x25: {  	[sflag:s21] =	ssyncset.done $0x0  }
0x26: {  	[sflag:s21] =	ssyncadd.s32 $0xFFFFF000  }
0x27: {  	_ =	swait.ge [sflag:s21], $0x1000  }
0x28: {  	[sflag:s21] =	ssyncset.done $0x0  }
0x29: {  	[sflag:s21] =	ssyncadd.s32 $0xFFFFF000  }
0x2a: {  	_ =	swait.ge [sflag:s21], $0x1000  }
0x2b: {  	[sflag:s21] =	ssyncset.done $0x0  }
0x2c: {  	[sflag:s21] =	ssyncadd.s32 $0xFFFFF000  }
0x2d: {  	_ =	swait.ge [sflag:s21], $0x1000  }
0x2e: {  	p0 =	seq.s32 s29, $0x0;
	[sflag:s21] =	ssyncset.done $0x0  }
0x2f: {  	s0 =	simm.s32 @!p0 $0x3;
	[sflag:s21] =	ssyncadd.s32 $0xFFFFF000  }
0x30: {  	s12 =	simm.s32 $0x1;
	_ =	swait.ge @!p0 [sflag:s0], $0x4000  }
0x31: {  	s9 =	simm.s32 $0x0;
	v8 =	vmov s12;
	[sflag:s0] =	ssyncset.done @!p0 $0x0  }
0x32: {  	v9 =	vmov s9;
	v14 =	vand.u32 $0x7F, v8;
	[sflag:s0] =	ssyncadd.s32 @!p0 $0xFFFFC000;
	s0 =	simm.s32 $0x8400  }
0x33: {  	v18 =	vand.u32 $0x7E, v9;
	v9 =	vadd.s32 v0, v14;
	v8 =	vld [tilespmem:s0+$0xFFFFE020]  }
0x34: {  	v11 =	vadd.s32 v0, v18;
	v10 =	vld [tilespmem:s0+$0xFFFFE000];
	_ =	sdelay $0x3  }
0x35: {  	[tilespmem:v9+s22+$0x0] =	vst.idx.msk $0xffff, v8  }
0x36: {  	[tilespmem:v11+s22+$0x0] =	vst.idx.msk $0xffff, v10;
	v9 =	vadd.s32 v1, v14;
	v8 =	vld [tilespmem:s0+$0xFFFFE030]  }
0x37: {  	v11 =	vadd.s32 v1, v18;
	v10 =	vld [tilespmem:s0+$0xFFFFE010];
	_ =	sdelay $0x3  }
0x38: {  	[tilespmem:v9+s22+$0x0] =	vst.idx.msk $0xffff, v8  }
0x39: {  	[tilespmem:v11+s22+$0x0] =	vst.idx.msk $0xffff, v10;
	v11 =	vadd.s32 v2, v14;
	v10 =	vld [tilespmem:s0+$0xFFFFF020]  }
0x3a: {  	v13 =	vadd.s32 v2, v18;
	s11 =	simm.s32 $0x3;
	v12 =	vld [tilespmem:s0+$0xFFFFF000]  }
0x3b: {  	s12 =	simm.s32 $0x2;
	v8 =	vmov s11  }
0x3c: {  	s31 =	simm.s32 $0x8440;
	v9 =	vmov s12;
	v8 =	vand.u32 $0x7F, v8  }
0x3d: {  	v15 =	vld [tilespmem:s31+$0xFFFFE020];
	v9 =	vand.u32 $0x7E, v9;
	v16 =	vadd.s32 v0, v8  }
0x3e: {  	v17 =	vld [tilespmem:s31+$0xFFFFE000];
	v19 =	vadd.s32 v0, v9;
	[tilespmem:v11+s22+$0x0] =	vst.idx.msk $0xffff, v10  }
0x3f: {  	[tilespmem:v13+s22+$0x0] =	vst.idx.msk $0xffff, v12;
	v11 =	vadd.s32 v3, v14;
	v10 =	vld [tilespmem:s0+$0xFFFFF030]  }
0x40: {  	v13 =	vadd.s32 v3, v18;
	v12 =	vld [tilespmem:s0+$0xFFFFF010];
	_ =	sdelay $0x1  }
0x41: {  	[tilespmem:v16+s22+$0x0] =	vst.idx.msk $0xffff, v15  }
0x42: {  	[tilespmem:v19+s22+$0x0] =	vst.idx.msk $0xffff, v17;
	v16 =	vadd.s32 v1, v8;
	v15 =	vld [tilespmem:s31+$0xFFFFE030]  }
0x43: {  	v19 =	vadd.s32 v1, v9;
	v17 =	vld [tilespmem:s31+$0xFFFFE010];
	[tilespmem:v11+s22+$0x0] =	vst.idx.msk $0xffff, v10  }
0x44: {  	[tilespmem:v13+s22+$0x0] =	vst.idx.msk $0xffff, v12;
	v11 =	vadd.s32 v4, v14;
	v10 =	vld [tilespmem:s0+$0x20]  }
0x45: {  	v13 =	vadd.s32 v4, v18;
	v12 =	vld [tilespmem:s0+$0x0];
	_ =	sdelay $0x1  }
0x46: {  	[tilespmem:v16+s22+$0x0] =	vst.idx.msk $0xffff, v15  }
0x47: {  	[tilespmem:v19+s22+$0x0] =	vst.idx.msk $0xffff, v17;
	v16 =	vadd.s32 v2, v8;
	v15 =	vld [tilespmem:s31+$0xFFFFF020]  }
0x48: {  	s11 =	simm.s32 $0x5;
	v19 =	vadd.s32 v2, v9;
	v17 =	vld [tilespmem:s31+$0xFFFFF000];
	[tilespmem:v11+s22+$0x0] =	vst.idx.msk $0xffff, v10  }
0x49: {  	s12 =	simm.s32 $0x4;
	v10 =	vmov s11;
	[tilespmem:v13+s22+$0x0] =	vst.idx.msk $0xffff, v12;
	v13 =	vadd.s32 v5, v14;
	v12 =	vld [tilespmem:s0+$0x30]  }
0x4a: {  	v21 =	vadd.s32 v5, v18;
	s1 =	simm.s32 $0x8480;
	v11 =	vmov s12;
	v10 =	vand.u32 $0x7F, v10;
	v20 =	vld [tilespmem:s0+$0x10]  }
0x4b: {  	v22 =	vld [tilespmem:s1+$0xFFFFE020];
	v11 =	vand.u32 $0x7E, v11;
	v23 =	vadd.s32 v0, v10  }
0x4c: {  	v24 =	vld [tilespmem:s1+$0xFFFFE000];
	[tilespmem:v16+s22+$0x0] =	vst.idx.msk $0xffff, v15;
	v25 =	vadd.s32 v0, v11  }
0x4d: {  	[tilespmem:v19+s22+$0x0] =	vst.idx.msk $0xffff, v17;
	v16 =	vadd.s32 v3, v8;
	v15 =	vld [tilespmem:s31+$0xFFFFF030]  }
0x4e: {  	v19 =	vadd.s32 v3, v9;
	v17 =	vld [tilespmem:s31+$0xFFFFF010];
	[tilespmem:v13+s22+$0x0] =	vst.idx.msk $0xffff, v12  }
0x4f: {  	[tilespmem:v21+s22+$0x0] =	vst.idx.msk $0xffff, v20;
	v13 =	vadd.s32 v6, v14;
	v12 =	vld [tilespmem:s0+$0x1020]  }
0x50: {  	v21 =	vadd.s32 v6, v18;
	[tilespmem:v23+s22+$0x0] =	vst.idx.msk $0xffff, v22;
	v20 =	vld [tilespmem:s0+$0x1000]  }
0x51: {  	[tilespmem:v25+s22+$0x0] =	vst.idx.msk $0xffff, v24;
	v23 =	vadd.s32 v1, v10;
	v22 =	vld [tilespmem:s1+$0xFFFFE030]  }
0x52: {  	v63 =	vadd.s32 v1, v11;
	[tilespmem:v16+s22+$0x0] =	vst.idx.msk $0xffff, v15;
	v24 =	vld [tilespmem:s1+$0xFFFFE010]  }
0x53: {  	v27 =	vadd.s32 v4, v8;
	[tilespmem:v19+s22+$0x0] =	vst.idx.msk $0xffff, v17;
	v26 =	vld [tilespmem:s31+$0x20]  }
0x54: {  	v17 =	vadd.s32 v4, v9;
	v16 =	vld [tilespmem:s31+$0x0];
	[tilespmem:v13+s22+$0x0] =	vst.idx.msk $0xffff, v12  }
0x55: {  	v15 =	vadd.s32 v7, v14;
	[tilespmem:v21+s22+$0x0] =	vst.idx.msk $0xffff, v20;
	v13 =	vld [tilespmem:s0+$0x1030]  }
0x56: {  	v14 =	vadd.s32 v7, v18;
	[tilespmem:v23+s22+$0x0] =	vst.idx.msk $0xffff, v22;
	v12 =	vld [tilespmem:s0+$0x1010]  }
0x57: {  	s9 =	simm.s32 $0x6;
	v19 =	vadd.s32 v2, v10;
	[tilespmem:v63+s22+$0x0] =	vst.idx.msk $0xffff, v24;
	v18 =	vld [tilespmem:s1+$0xFFFFF020]  }
0x58: {  	s12 =	simm.s32 $0x7;
	s11 =	simm.s32 $0x8;
	v21 =	vadd.s32 v2, v11;
	[tilespmem:v27+s22+$0x0] =	vst.idx.msk $0xffff, v26;
	s0 =	simm.s32 $0x8480;
	v20 =	vld [tilespmem:s1+$0xFFFFF000]  }
.LBB2_3:
0x59: {  	p1 =	slt.u32 s11, $0x7E;
	v22 =	vmov s12;
	[tilespmem:v17+s22+$0x0] =	vst.idx.msk $0xffff, v16;
	v16 =	vld [tilespmem:s31+$0x30];
	v17 =	vadd.s32 v5, v8  }
0x5a: {  	v23 =	vmov s9;
	s1 =	sadd.s32 $0x40, s1;
	v25 =	vadd.s32 v5, v9;
	s9 =	smov.u32 s11;
	v22 =	vand.u32 $0x7F, v22;
	v24 =	vld [tilespmem:s31+$0x10];
	[tilespmem:v15+s22+$0x0] =	vst.idx.msk $0xffff, v13  }
0x5b: {  	v23 =	vand.u32 $0x7E, v23;
	v13 =	vld [tilespmem:s1+$0xFFFFE020];
	v15 =	vadd.s32 v0, v22;
	[tilespmem:v14+s22+$0x0] =	vst.idx.msk $0xffff, v12  }
0x5c: {  	v14 =	vadd.s32 v0, v23;
	v12 =	vld [tilespmem:s1+$0xFFFFE000];
	[tilespmem:v19+s22+$0x0] =	vst.idx.msk $0xffff, v18  }
0x5d: {  	v19 =	vadd.s32 v3, v10;
	[tilespmem:v21+s22+$0x0] =	vst.idx.msk $0xffff, v20;
	v18 =	vld [tilespmem:s0+$0xFFFFF030]  }
0x5e: {  	v21 =	vadd.s32 v3, v11;
	v20 =	vld [tilespmem:s0+$0xFFFFF010];
	[tilespmem:v17+s22+$0x0] =	vst.idx.msk $0xffff, v16  }
0x5f: {  	[tilespmem:v25+s22+$0x0] =	vst.idx.msk $0xffff, v24;
	v24 =	vld [tilespmem:s31+$0x1020];
	v25 =	vadd.s32 v6, v8  }
0x60: {  	[tilespmem:v15+s22+$0x0] =	vst.idx.msk $0xffff, v13;
	v13 =	vld [tilespmem:s31+$0x1000];
	v15 =	vadd.s32 v6, v9  }
0x61: {  	[tilespmem:v14+s22+$0x0] =	vst.idx.msk $0xffff, v12;
	v12 =	vld [tilespmem:s1+$0xFFFFE030];
	v14 =	vadd.s32 v1, v22  }
0x62: {  	v27 =	vadd.s32 v1, v23;
	v26 =	vld [tilespmem:s1+$0xFFFFE010];
	[tilespmem:v19+s22+$0x0] =	vst.idx.msk $0xffff, v18  }
0x63: {  	v29 =	vadd.s32 v4, v10;
	[tilespmem:v21+s22+$0x0] =	vst.idx.msk $0xffff, v20;
	v28 =	vld [tilespmem:s0+$0x20]  }
.Ltmp0:
0x64: {  	v17 =	vadd.s32 v4, v11;
	v16 =	vld [tilespmem:s0+$0x0];
	[tilespmem:v25+s22+$0x0] =	vst.idx.msk $0xffff, v24;
	(pc) =	sbr.rel @p1 .LBB2_3-.Ltmp0, $4  }
0x65: {  	[tilespmem:v15+s22+$0x0] =	vst.idx.msk $0xffff, v13;
	v13 =	vld [tilespmem:s31+$0x1030];
	v15 =	vadd.s32 v7, v8;
	v8 =	vmov v10;
	v10 =	vmov v22  }
0x66: {  	[tilespmem:v14+s22+$0x0] =	vst.idx.msk $0xffff, v12;
	v12 =	vld [tilespmem:s31+$0x1010];
	v14 =	vadd.s32 v7, v9;
	v9 =	vmov v11;
	v11 =	vmov v23;
	s31 =	smov.u32 s0;
	s0 =	smov.u32 s1  }
0x67: {  	v19 =	vadd.s32 v2, v10;
	[tilespmem:v27+s22+$0x0] =	vst.idx.msk $0xffff, v26;
	v18 =	vld [tilespmem:s1+$0xFFFFF020]  }
0x68: {  	s11 =	sadd.s32 $0x2, s11;
	s12 =	sadd.s32 $0x1, s9;
	v21 =	vadd.s32 v2, v11;
	v20 =	vld [tilespmem:s1+$0xFFFFF000];
	[tilespmem:v29+s22+$0x0] =	vst.idx.msk $0xffff, v28  }
0x69: {  	v22 =	vmov s12  }
0x6a: {  	v23 =	vmov s9;
	s1 =	sadd.s32 $0x40, s1;
	v22 =	vand.u32 $0x7F, v22  }
0x6b: {  	v23 =	vand.u32 $0x7E, v23;
	v24 =	vld [tilespmem:s1+$0xFFFFE020];
	v25 =	vadd.s32 v0, v22  }
0x6c: {  	v26 =	vld [tilespmem:s1+$0xFFFFE000];
	v27 =	vadd.s32 v0, v23;
	_ =	sdelay $0x3  }
0x6d: {  	[tilespmem:v25+s22+$0x0] =	vst.idx.msk $0xffff, v24  }
0x6e: {  	v56 =	vadd.s32 v1, v22;
	[tilespmem:v27+s22+$0x0] =	vst.idx.msk $0xffff, v26;
	v24 =	vld [tilespmem:s1+$0xFFFFE030]  }
0x6f: {  	v57 =	vadd.s32 v1, v23;
	v26 =	vld [tilespmem:s1+$0xFFFFE010];
	_ =	sdelay $0x3  }
0x70: {  	[tilespmem:v56+s22+$0x0] =	vst.idx.msk $0xffff, v24  }
0x71: {  	v58 =	vadd.s32 v2, v22;
	[tilespmem:v57+s22+$0x0] =	vst.idx.msk $0xffff, v26;
	v24 =	vld [tilespmem:s1+$0xFFFFF020]  }
0x72: {  	v59 =	vadd.s32 v2, v23;
	v26 =	vld [tilespmem:s1+$0xFFFFF000];
	_ =	sdelay $0x1  }
0x73: {  	[tilespmem:v19+s22+$0x0] =	vst.idx.msk $0xffff, v18  }
0x74: {  	v60 =	vadd.s32 v3, v10;
	[tilespmem:v21+s22+$0x0] =	vst.idx.msk $0xffff, v20;
	v18 =	vld [tilespmem:s0+$0xFFFFF030]  }
0x75: {  	v61 =	vadd.s32 v3, v11;
	v20 =	vld [tilespmem:s0+$0xFFFFF010];
	[tilespmem:v58+s22+$0x0] =	vst.idx.msk $0xffff, v24  }
0x76: {  	v62 =	vadd.s32 v3, v22;
	[tilespmem:v59+s22+$0x0] =	vst.idx.msk $0xffff, v26;
	v24 =	vld [tilespmem:s1+$0xFFFFF030]  }
0x77: {  	v63 =	vadd.s32 v3, v23;
	v26 =	vld [tilespmem:s1+$0xFFFFF010]  }
0x78: {  	[tilespmem:v17+s22+$0x0] =	vst.idx.msk $0xffff, v16  }
0x79: {  	[tilespmem:v60+s22+$0x0] =	vst.idx.msk $0xffff, v18  }
0x7a: {  	v29 =	vadd.s32 v4, v10;
	[tilespmem:v61+s22+$0x0] =	vst.idx.msk $0xffff, v20;
	v28 =	vld [tilespmem:s0+$0x20]  }
0x7b: {  	v31 =	vadd.s32 v4, v11;
	v30 =	vld [tilespmem:s0+$0x0];
	[tilespmem:v62+s22+$0x0] =	vst.idx.msk $0xffff, v24  }
0x7c: {  	v33 =	vadd.s32 v4, v22;
	[tilespmem:v63+s22+$0x0] =	vst.idx.msk $0xffff, v26;
	v32 =	vld [tilespmem:s1+$0x20]  }
0x7d: {  	[tilespmem:v15+s22+$0x0] =	vst.idx.msk $0xffff, v13;
	v35 =	vadd.s32 v4, v23;
	v34 =	vld [tilespmem:s1+$0x0]  }
0x7e: {  	v36 =	vld [tilespmem:s31+$0x30];
	v37 =	vadd.s32 v5, v8;
	[tilespmem:v14+s22+$0x0] =	vst.idx.msk $0xffff, v12  }
0x7f: {  	v39 =	vadd.s32 v5, v9;
	v38 =	vld [tilespmem:s31+$0x10];
	[tilespmem:v29+s22+$0x0] =	vst.idx.msk $0xffff, v28  }
0x80: {  	v40 =	vadd.s32 v5, v10;
	[tilespmem:v31+s22+$0x0] =	vst.idx.msk $0xffff, v30;
	v16 =	vld [tilespmem:s0+$0x30]  }
0x81: {  	v41 =	vadd.s32 v5, v11;
	v18 =	vld [tilespmem:s0+$0x10];
	[tilespmem:v33+s22+$0x0] =	vst.idx.msk $0xffff, v32  }
0x82: {  	v43 =	vadd.s32 v5, v22;
	[tilespmem:v35+s22+$0x0] =	vst.idx.msk $0xffff, v34;
	v42 =	vld [tilespmem:s1+$0x30]  }
0x83: {  	v45 =	vadd.s32 v5, v23;
	[tilespmem:v37+s22+$0x0] =	vst.idx.msk $0xffff, v36;
	v44 =	vld [tilespmem:s1+$0x10]  }
0x84: {  	v47 =	vadd.s32 v6, v8;
	[tilespmem:v39+s22+$0x0] =	vst.idx.msk $0xffff, v38;
	v46 =	vld [tilespmem:s31+$0x1020]  }
0x85: {  	v49 =	vadd.s32 v6, v9;
	v48 =	vld [tilespmem:s31+$0x1000];
	[tilespmem:v40+s22+$0x0] =	vst.idx.msk $0xffff, v16  }
0x86: {  	v50 =	vadd.s32 v6, v10;
	[tilespmem:v41+s22+$0x0] =	vst.idx.msk $0xffff, v18;
	v16 =	vld [tilespmem:s0+$0x1020]  }
0x87: {  	v51 =	vadd.s32 v6, v11;
	v18 =	vld [tilespmem:s0+$0x1000];
	[tilespmem:v43+s22+$0x0] =	vst.idx.msk $0xffff, v42  }
0x88: {  	v52 =	vadd.s32 v6, v22;
	[tilespmem:v45+s22+$0x0] =	vst.idx.msk $0xffff, v44;
	v13 =	vld [tilespmem:s1+$0x1020]  }
0x89: {  	v54 =	vadd.s32 v6, v23;
	[tilespmem:v47+s22+$0x0] =	vst.idx.msk $0xffff, v46;
	v53 =	vld [tilespmem:s1+$0x1000]  }
0x8a: {  	v8 =	vadd.s32 v7, v8;
	[tilespmem:v49+s22+$0x0] =	vst.idx.msk $0xffff, v48;
	v55 =	vld [tilespmem:s31+$0x1030]  }
0x8b: {  	v56 =	vld [tilespmem:s31+$0x1010];
	v57 =	vadd.s32 v7, v9;
	[tilespmem:v50+s22+$0x0] =	vst.idx.msk $0xffff, v16  }
0x8c: {  	v58 =	vadd.s32 v7, v10;
	[tilespmem:v51+s22+$0x0] =	vst.idx.msk $0xffff, v18;
	v16 =	vld [tilespmem:s0+$0x1030]  }
0x8d: {  	v60 =	vadd.s32 v7, v11;
	v59 =	vld [tilespmem:s0+$0x1010];
	[tilespmem:v52+s22+$0x0] =	vst.idx.msk $0xffff, v13  }
0x8e: {  	v62 =	vadd.s32 v7, v22;
	[tilespmem:v54+s22+$0x0] =	vst.idx.msk $0xffff, v53;
	v61 =	vld [tilespmem:s1+$0x1030]  }
0x8f: {  	[tilespmem:v8+s22+$0x0] =	vst.idx.msk $0xffff, v55;
	v63 =	vadd.s32 v7, v23;
	v8 =	vld [tilespmem:s1+$0x1010]  }
0x90: {  	[tilespmem:v57+s22+$0x0] =	vst.idx.msk $0xffff, v56  }
0x91: {  	s12 =	sshll.u32 s29, $0x14;
	[tilespmem:v58+s22+$0x0] =	vst.idx.msk $0xffff, v16  }
0x92: {  	s0 =	sor.u32 s6, s12;
	[tilespmem:v60+s22+$0x0] =	vst.idx.msk $0xffff, v59  }
0x93: {  	s0 =	sshrl.u32 s0, $0x3;
	[tilespmem:v62+s22+$0x0] =	vst.idx.msk $0xffff, v61  }
0x94: {  	s31 =	simm.s32 $0xE400;
	s1 =	sadd.s32 s2, s0;
	[tilespmem:v63+s22+$0x0] =	vst.idx.msk $0xffff, v8  }
0x95: {  	[hbm4b:s1+s3] =	stream.linear.scatter [tilespmem:s31], [sflag:$0x3], $0x80, $0x38;
	[tilespmem:$0x16C00] =	vst v63  }
0x96: {  	s9 =	simm.s32 $0xE488;
	s11 =	sadd.s32 $0x10, s1  }
0x97: {  	[hbm4b:s11+s3] =	stream.linear.scatter [tilespmem:s9], [sflag:$0x3], $0x80, $0x38;
	[tilespmem:$0x16C00] =	vst v63  }
0x98: {  	s12 =	simm.s32 $0xE510;
	s31 =	sadd.s32 $0x20, s1  }
0x99: {  	[hbm4b:s31+s3] =	stream.linear.scatter [tilespmem:s12], [sflag:$0x3], $0x80, $0x38;
	[tilespmem:$0x16C00] =	vst v63  }
0x9a: {  	s9 =	simm.s32 $0xE598;
	s11 =	sadd.s32 $0x30, s1  }
0x9b: {  	[hbm4b:s11+s3] =	stream.linear.scatter [tilespmem:s9], [sflag:$0x3], $0x80, $0x38;
	[tilespmem:$0x16C00] =	vst v63  }
0x9c: {  	s12 =	simm.s32 $0xE620;
	s31 =	sadd.s32 $0x40, s1  }
0x9d: {  	[hbm4b:s31+s3] =	stream.linear.scatter [tilespmem:s12], [sflag:$0x3], $0x80, $0x38;
	[tilespmem:$0x16C00] =	vst v63  }
0x9e: {  	s0 =	simm.s32 $0x440;
	s9 =	simm.s32 $0xE6A8;
	s11 =	sadd.s32 $0x50, s1  }
0x9f: {  	[hbm4b:s11+s3] =	stream.linear.scatter [tilespmem:s9], [sflag:$0x3], $0x80, $0x38;
	[tilespmem:$0x16C00] =	vst v63  }
0xa0: {  	s12 =	simm.s32 $0xE730;
	s31 =	sadd.s32 $0x60, s1;
	s9 =	simm.s32 $0x2200  }
0xa1: {  	[hbm4b:s31+s3] =	stream.linear.scatter [tilespmem:s12], [sflag:$0x3], $0x80, $0x38;
	[tilespmem:$0x16C00] =	vst v63  }
0xa2: {  	s11 =	simm.s32 $0xE7B8;
	s12 =	sadd.s32 $0x70, s1;
	s1 =	sadd.s32 $0x1000, s1  }
.LBB2_5:
0xa3: {  	[hbm4b:s12+s3] =	stream.linear.scatter [tilespmem:s11], [sflag:$0x3], $0x80, $0x38;
	[tilespmem:$0x16C00] =	vst v63  }
0xa4: {  	s11 =	smov.u32 s0;
	s0 =	smov.u32 s9  }
0xa5: {  	s31 =	sadd.s32 $0x1100, s9;
	s0 =	sshra.s32 s0, $0x2;
	s12 =	sadd.s32 $0xE400, s11  }
0xa6: {  	[hbm4b:s1+s3] =	stream.linear.scatter [tilespmem:s12], [sflag:$0x3], $0x80, $0x38;
	[tilespmem:$0x16C00] =	vst v63  }
0xa7: {  	p1 =	sne.s32 s9, $0xFF00;
	s9 =	sadd.s32 $0xE488, s11;
	s12 =	sadd.s32 $0x10, s1  }
0xa8: {  	[hbm4b:s12+s3] =	stream.linear.scatter [tilespmem:s9], [sflag:$0x3], $0x80, $0x38;
	[tilespmem:$0x16C00] =	vst v63  }
0xa9: {  	s9 =	sadd.s32 $0xE510, s11;
	s12 =	sadd.s32 $0x20, s1  }
0xaa: {  	[hbm4b:s12+s3] =	stream.linear.scatter [tilespmem:s9], [sflag:$0x3], $0x80, $0x38;
	[tilespmem:$0x16C00] =	vst v63  }
0xab: {  	s9 =	sadd.s32 $0xE598, s11;
	s12 =	sadd.s32 $0x30, s1  }
0xac: {  	[hbm4b:s12+s3] =	stream.linear.scatter [tilespmem:s9], [sflag:$0x3], $0x80, $0x38;
	[tilespmem:$0x16C00] =	vst v63  }
0xad: {  	s9 =	sadd.s32 $0xE620, s11;
	s12 =	sadd.s32 $0x40, s1  }
0xae: {  	[hbm4b:s12+s3] =	stream.linear.scatter [tilespmem:s9], [sflag:$0x3], $0x80, $0x38;
	[tilespmem:$0x16C00] =	vst v63  }
.Ltmp1:
0xaf: {  	s9 =	sadd.s32 $0xE6A8, s11;
	s12 =	sadd.s32 $0x50, s1;
	(pc) =	sbr.rel @p1 .LBB2_5-.Ltmp1, $4  }
0xb0: {  	[hbm4b:s12+s3] =	stream.linear.scatter [tilespmem:s9], [sflag:$0x3], $0x80, $0x38;
	[tilespmem:$0x16C00] =	vst v63  }
0xb1: {  	s9 =	sadd.s32 $0xE730, s11;
	s12 =	sadd.s32 $0x60, s1;
	s11 =	sadd.s32 $0xE7B8, s11  }
0xb2: {  	[hbm4b:s12+s3] =	stream.linear.scatter [tilespmem:s9], [sflag:$0x3], $0x80, $0x38;
	[tilespmem:$0x16C00] =	vst v63  }
0xb3: {  	s12 =	sadd.s32 $0x70, s1;
	s1 =	sadd.s32 $0x1000, s1;
	s9 =	smov.u32 s31  }
0xb4: {  	[hbm4b:s12+s3] =	stream.linear.scatter [tilespmem:s11], [sflag:$0x3], $0x80, $0x38;
	[tilespmem:$0x16C00] =	vst v63  }
0xb5: {  	s9 =	sadd.s32 $0xE400, s0  }
0xb6: {  	[hbm4b:s1+s3] =	stream.linear.scatter [tilespmem:s9], [sflag:$0x3], $0x80, $0x38;
	[tilespmem:$0x16C00] =	vst v63  }
0xb7: {  	s11 =	sadd.s32 $0xE488, s0;
	s12 =	sadd.s32 $0x10, s1  }
0xb8: {  	[hbm4b:s12+s3] =	stream.linear.scatter [tilespmem:s11], [sflag:$0x3], $0x80, $0x38;
	[tilespmem:$0x16C00] =	vst v63  }
0xb9: {  	s11 =	sadd.s32 $0xE510, s0;
	s12 =	sadd.s32 $0x20, s1  }
0xba: {  	[hbm4b:s12+s3] =	stream.linear.scatter [tilespmem:s11], [sflag:$0x3], $0x80, $0x38;
	[tilespmem:$0x16C00] =	vst v63  }
0xbb: {  	s11 =	sadd.s32 $0xE598, s0;
	s12 =	sadd.s32 $0x30, s1  }
0xbc: {  	[hbm4b:s12+s3] =	stream.linear.scatter [tilespmem:s11], [sflag:$0x3], $0x80, $0x38;
	[tilespmem:$0x16C00] =	vst v63  }
0xbd: {  	s11 =	sadd.s32 $0xE620, s0;
	s12 =	sadd.s32 $0x40, s1  }
0xbe: {  	[hbm4b:s12+s3] =	stream.linear.scatter [tilespmem:s11], [sflag:$0x3], $0x80, $0x38;
	[tilespmem:$0x16C00] =	vst v63  }
0xbf: {  	s11 =	sadd.s32 $0xE6A8, s0;
	s12 =	sadd.s32 $0x50, s1  }
0xc0: {  	[hbm4b:s12+s3] =	stream.linear.scatter [tilespmem:s11], [sflag:$0x3], $0x80, $0x38;
	[tilespmem:$0x16C00] =	vst v63  }
0xc1: {  	p1 =	seq.s32 s29, $0x18;
	s11 =	sadd.s32 $0xE730, s0;
	s12 =	sadd.s32 $0x60, s1  }
0xc2: {  	[hbm4b:s12+s3] =	stream.linear.scatter [tilespmem:s11], [sflag:$0x3], $0x80, $0x38;
	[tilespmem:$0x16C00] =	vst v63  }
0xc3: {  	s12 =	sadd.s32 $0xE7B8, s0;
	s0 =	sshll.u32 @!p1 s29, $0xA  }
0xc4: {  	s9 =	sadd.s32 $0x70, s1;
	s0 =	sand.u32 @!p1 $0x3FFFFC00, s0  }
0xc5: {  	[hbm4b:s9+s3] =	stream.linear.scatter [tilespmem:s12], [sflag:$0x3], $0x80, $0x38;
	[tilespmem:$0x16C00] =	vst v63  }
0xc6: {  	s11 =	simm.s32 @!p1 $0x6400;
	s1 =	sadd.s32 @!p1 $0x400, s0;
	s9 =	simm.s32 @!p1 $0x80  }
0xc7: {  	[tilespmem:s11], [sflag:$0x1] =	stream.indirect.gather @!p1 [hbm4b:s4+s9], $0x20, s1, s9, $0xb8;
	[tilespmem:$0x16C00] =	vst v63  }
0xc8: {  	s1 =	sadd.s32 @!p1 $0x480, s0;
	s11 =	simm.s32 @!p1 $0x7400  }
0xc9: {  	[tilespmem:s11], [sflag:$0x1] =	stream.indirect.gather @!p1 [hbm4b:s4+s9], $0x20, s1, s9, $0xb8;
	[tilespmem:$0x16C00] =	vst v63  }
0xca: {  	s1 =	sadd.s32 @!p1 $0x500, s0;
	s11 =	simm.s32 @!p1 $0x8400  }
0xcb: {  	[tilespmem:s11], [sflag:$0x1] =	stream.indirect.gather @!p1 [hbm4b:s4+s9], $0x20, s1, s9, $0xb8;
	[tilespmem:$0x16C00] =	vst v63  }
0xcc: {  	s0 =	sadd.s32 @!p1 $0x580, s0;
	s1 =	simm.s32 @!p1 $0x9400  }
0xcd: {  	[tilespmem:s1], [sflag:$0x1] =	stream.indirect.gather @!p1 [hbm4b:s4+s9], $0x20, s0, s9, $0xb8;
	[tilespmem:$0x16C00] =	vst v63  }
0xce: {  	_ =	swait.ge [sflag:s23], $0x1000  }
0xcf: {  	[sflag:s23] =	ssyncset.done $0x0  }
0xd0: {  	[sflag:s23] =	ssyncadd.s32 $0xFFFFF000  }
0xd1: {  	_ =	swait.ge [sflag:s23], $0x1000  }
0xd2: {  	[sflag:s23] =	ssyncset.done $0x0  }
0xd3: {  	[sflag:s23] =	ssyncadd.s32 $0xFFFFF000  }
0xd4: {  	_ =	swait.ge [sflag:s23], $0x1000  }
0xd5: {  	[sflag:s23] =	ssyncset.done $0x0  }
0xd6: {  	[sflag:s23] =	ssyncadd.s32 $0xFFFFF000  }
0xd7: {  	_ =	swait.ge [sflag:s23], $0x1000  }
0xd8: {  	[sflag:s23] =	ssyncset.done $0x0  }
0xd9: {  	s0 =	simm.s32 @!p0 $0x4;
	[sflag:s23] =	ssyncadd.s32 $0xFFFFF000  }
0xda: {  	s11 =	simm.s32 $0x1;
	_ =	swait.ge @!p0 [sflag:s0], $0x4000  }
0xdb: {  	s12 =	simm.s32 $0x0;
	v8 =	vmov s11;
	[sflag:s0] =	ssyncset.done @!p0 $0x0  }
0xdc: {  	v9 =	vmov s12;
	v14 =	vand.u32 $0x7F, v8;
	[sflag:s0] =	ssyncadd.s32 @!p0 $0xFFFFC000;
	s0 =	simm.s32 $0xC400  }
0xdd: {  	v18 =	vand.u32 $0x7E, v9;
	v9 =	vadd.s32 v0, v14;
	v8 =	vld [tilespmem:s0+$0xFFFFE020]  }
0xde: {  	v11 =	vadd.s32 v0, v18;
	v10 =	vld [tilespmem:s0+$0xFFFFE000];
	_ =	sdelay $0x3  }
0xdf: {  	[tilespmem:v9+s24+$0x0] =	vst.idx.msk $0xffff, v8  }
0xe0: {  	[tilespmem:v11+s24+$0x0] =	vst.idx.msk $0xffff, v10;
	v9 =	vadd.s32 v1, v14;
	v8 =	vld [tilespmem:s0+$0xFFFFE030]  }
0xe1: {  	v11 =	vadd.s32 v1, v18;
	v10 =	vld [tilespmem:s0+$0xFFFFE010];
	_ =	sdelay $0x3  }
0xe2: {  	[tilespmem:v9+s24+$0x0] =	vst.idx.msk $0xffff, v8  }
0xe3: {  	[tilespmem:v11+s24+$0x0] =	vst.idx.msk $0xffff, v10;
	v11 =	vadd.s32 v2, v14;
	v10 =	vld [tilespmem:s0+$0xFFFFF020]  }
0xe4: {  	v13 =	vadd.s32 v2, v18;
	s11 =	simm.s32 $0x3;
	v12 =	vld [tilespmem:s0+$0xFFFFF000]  }
0xe5: {  	s12 =	simm.s32 $0x2;
	v8 =	vmov s11  }
0xe6: {  	s31 =	simm.s32 $0xC440;
	v9 =	vmov s12;
	v8 =	vand.u32 $0x7F, v8  }
0xe7: {  	v15 =	vld [tilespmem:s31+$0xFFFFE020];
	v9 =	vand.u32 $0x7E, v9;
	v16 =	vadd.s32 v0, v8  }
0xe8: {  	v17 =	vld [tilespmem:s31+$0xFFFFE000];
	v19 =	vadd.s32 v0, v9;
	[tilespmem:v11+s24+$0x0] =	vst.idx.msk $0xffff, v10  }
0xe9: {  	[tilespmem:v13+s24+$0x0] =	vst.idx.msk $0xffff, v12;
	v11 =	vadd.s32 v3, v14;
	v10 =	vld [tilespmem:s0+$0xFFFFF030]  }
0xea: {  	v13 =	vadd.s32 v3, v18;
	v12 =	vld [tilespmem:s0+$0xFFFFF010];
	_ =	sdelay $0x1  }
0xeb: {  	[tilespmem:v16+s24+$0x0] =	vst.idx.msk $0xffff, v15  }
0xec: {  	[tilespmem:v19+s24+$0x0] =	vst.idx.msk $0xffff, v17;
	v16 =	vadd.s32 v1, v8;
	v15 =	vld [tilespmem:s31+$0xFFFFE030]  }
0xed: {  	v19 =	vadd.s32 v1, v9;
	v17 =	vld [tilespmem:s31+$0xFFFFE010];
	[tilespmem:v11+s24+$0x0] =	vst.idx.msk $0xffff, v10  }
0xee: {  	[tilespmem:v13+s24+$0x0] =	vst.idx.msk $0xffff, v12;
	v11 =	vadd.s32 v4, v14;
	v10 =	vld [tilespmem:s0+$0x20]  }
0xef: {  	v13 =	vadd.s32 v4, v18;
	v12 =	vld [tilespmem:s0+$0x0];
	_ =	sdelay $0x1  }
0xf0: {  	[tilespmem:v16+s24+$0x0] =	vst.idx.msk $0xffff, v15  }
0xf1: {  	[tilespmem:v19+s24+$0x0] =	vst.idx.msk $0xffff, v17;
	v16 =	vadd.s32 v2, v8;
	v15 =	vld [tilespmem:s31+$0xFFFFF020]  }
0xf2: {  	s11 =	simm.s32 $0x5;
	v19 =	vadd.s32 v2, v9;
	v17 =	vld [tilespmem:s31+$0xFFFFF000];
	[tilespmem:v11+s24+$0x0] =	vst.idx.msk $0xffff, v10  }
0xf3: {  	s12 =	simm.s32 $0x4;
	v10 =	vmov s11;
	[tilespmem:v13+s24+$0x0] =	vst.idx.msk $0xffff, v12;
	v13 =	vadd.s32 v5, v14;
	v12 =	vld [tilespmem:s0+$0x30]  }
0xf4: {  	v21 =	vadd.s32 v5, v18;
	s1 =	simm.s32 $0xC480;
	v11 =	vmov s12;
	v10 =	vand.u32 $0x7F, v10;
	v20 =	vld [tilespmem:s0+$0x10]  }
0xf5: {  	v22 =	vld [tilespmem:s1+$0xFFFFE020];
	v11 =	vand.u32 $0x7E, v11;
	v23 =	vadd.s32 v0, v10  }
0xf6: {  	v24 =	vld [tilespmem:s1+$0xFFFFE000];
	[tilespmem:v16+s24+$0x0] =	vst.idx.msk $0xffff, v15;
	v25 =	vadd.s32 v0, v11  }
0xf7: {  	[tilespmem:v19+s24+$0x0] =	vst.idx.msk $0xffff, v17;
	v16 =	vadd.s32 v3, v8;
	v15 =	vld [tilespmem:s31+$0xFFFFF030]  }
0xf8: {  	v19 =	vadd.s32 v3, v9;
	v17 =	vld [tilespmem:s31+$0xFFFFF010];
	[tilespmem:v13+s24+$0x0] =	vst.idx.msk $0xffff, v12  }
0xf9: {  	[tilespmem:v21+s24+$0x0] =	vst.idx.msk $0xffff, v20;
	v13 =	vadd.s32 v6, v14;
	v12 =	vld [tilespmem:s0+$0x1020]  }
0xfa: {  	v21 =	vadd.s32 v6, v18;
	[tilespmem:v23+s24+$0x0] =	vst.idx.msk $0xffff, v22;
	v20 =	vld [tilespmem:s0+$0x1000]  }
0xfb: {  	[tilespmem:v25+s24+$0x0] =	vst.idx.msk $0xffff, v24;
	v23 =	vadd.s32 v1, v10;
	v22 =	vld [tilespmem:s1+$0xFFFFE030]  }
0xfc: {  	v63 =	vadd.s32 v1, v11;
	[tilespmem:v16+s24+$0x0] =	vst.idx.msk $0xffff, v15;
	v24 =	vld [tilespmem:s1+$0xFFFFE010]  }
0xfd: {  	v27 =	vadd.s32 v4, v8;
	[tilespmem:v19+s24+$0x0] =	vst.idx.msk $0xffff, v17;
	v26 =	vld [tilespmem:s31+$0x20]  }
0xfe: {  	v17 =	vadd.s32 v4, v9;
	v16 =	vld [tilespmem:s31+$0x0];
	[tilespmem:v13+s24+$0x0] =	vst.idx.msk $0xffff, v12  }
0xff: {  	v15 =	vadd.s32 v7, v14;
	[tilespmem:v21+s24+$0x0] =	vst.idx.msk $0xffff, v20;
	v13 =	vld [tilespmem:s0+$0x1030]  }
0x100: {  	v14 =	vadd.s32 v7, v18;
	[tilespmem:v23+s24+$0x0] =	vst.idx.msk $0xffff, v22;
	v12 =	vld [tilespmem:s0+$0x1010]  }
0x101: {  	s9 =	simm.s32 $0x6;
	v19 =	vadd.s32 v2, v10;
	[tilespmem:v63+s24+$0x0] =	vst.idx.msk $0xffff, v24;
	v18 =	vld [tilespmem:s1+$0xFFFFF020]  }
0x102: {  	s12 =	simm.s32 $0x7;
	s11 =	simm.s32 $0x8;
	v21 =	vadd.s32 v2, v11;
	[tilespmem:v27+s24+$0x0] =	vst.idx.msk $0xffff, v26;
	s0 =	simm.s32 $0xC480;
	v20 =	vld [tilespmem:s1+$0xFFFFF000]  }
.LBB2_7:
0x103: {  	p0 =	slt.u32 s11, $0x7E;
	v22 =	vmov s12;
	[tilespmem:v17+s24+$0x0] =	vst.idx.msk $0xffff, v16;
	v16 =	vld [tilespmem:s31+$0x30];
	v17 =	vadd.s32 v5, v8  }
0x104: {  	v23 =	vmov s9;
	s1 =	sadd.s32 $0x40, s1;
	v25 =	vadd.s32 v5, v9;
	s9 =	smov.u32 s11;
	v22 =	vand.u32 $0x7F, v22;
	v24 =	vld [tilespmem:s31+$0x10];
	[tilespmem:v15+s24+$0x0] =	vst.idx.msk $0xffff, v13  }
0x105: {  	v23 =	vand.u32 $0x7E, v23;
	v13 =	vld [tilespmem:s1+$0xFFFFE020];
	v15 =	vadd.s32 v0, v22;
	[tilespmem:v14+s24+$0x0] =	vst.idx.msk $0xffff, v12  }
0x106: {  	v14 =	vadd.s32 v0, v23;
	v12 =	vld [tilespmem:s1+$0xFFFFE000];
	[tilespmem:v19+s24+$0x0] =	vst.idx.msk $0xffff, v18  }
0x107: {  	v19 =	vadd.s32 v3, v10;
	[tilespmem:v21+s24+$0x0] =	vst.idx.msk $0xffff, v20;
	v18 =	vld [tilespmem:s0+$0xFFFFF030]  }
0x108: {  	v21 =	vadd.s32 v3, v11;
	v20 =	vld [tilespmem:s0+$0xFFFFF010];
	[tilespmem:v17+s24+$0x0] =	vst.idx.msk $0xffff, v16  }
0x109: {  	[tilespmem:v25+s24+$0x0] =	vst.idx.msk $0xffff, v24;
	v24 =	vld [tilespmem:s31+$0x1020];
	v25 =	vadd.s32 v6, v8  }
0x10a: {  	[tilespmem:v15+s24+$0x0] =	vst.idx.msk $0xffff, v13;
	v13 =	vld [tilespmem:s31+$0x1000];
	v15 =	vadd.s32 v6, v9  }
0x10b: {  	[tilespmem:v14+s24+$0x0] =	vst.idx.msk $0xffff, v12;
	v12 =	vld [tilespmem:s1+$0xFFFFE030];
	v14 =	vadd.s32 v1, v22  }
0x10c: {  	v27 =	vadd.s32 v1, v23;
	v26 =	vld [tilespmem:s1+$0xFFFFE010];
	[tilespmem:v19+s24+$0x0] =	vst.idx.msk $0xffff, v18  }
0x10d: {  	v29 =	vadd.s32 v4, v10;
	[tilespmem:v21+s24+$0x0] =	vst.idx.msk $0xffff, v20;
	v28 =	vld [tilespmem:s0+$0x20]  }
.Ltmp2:
0x10e: {  	v17 =	vadd.s32 v4, v11;
	v16 =	vld [tilespmem:s0+$0x0];
	[tilespmem:v25+s24+$0x0] =	vst.idx.msk $0xffff, v24;
	(pc) =	sbr.rel @p0 .LBB2_7-.Ltmp2, $4  }
0x10f: {  	[tilespmem:v15+s24+$0x0] =	vst.idx.msk $0xffff, v13;
	v13 =	vld [tilespmem:s31+$0x1030];
	v15 =	vadd.s32 v7, v8;
	v8 =	vmov v10;
	v10 =	vmov v22  }
0x110: {  	[tilespmem:v14+s24+$0x0] =	vst.idx.msk $0xffff, v12;
	v12 =	vld [tilespmem:s31+$0x1010];
	v14 =	vadd.s32 v7, v9;
	v9 =	vmov v11;
	v11 =	vmov v23;
	s31 =	smov.u32 s0;
	s0 =	smov.u32 s1  }
0x111: {  	v19 =	vadd.s32 v2, v10;
	[tilespmem:v27+s24+$0x0] =	vst.idx.msk $0xffff, v26;
	v18 =	vld [tilespmem:s1+$0xFFFFF020]  }
0x112: {  	s11 =	sadd.s32 $0x2, s11;
	s12 =	sadd.s32 $0x1, s9;
	v21 =	vadd.s32 v2, v11;
	v20 =	vld [tilespmem:s1+$0xFFFFF000];
	[tilespmem:v29+s24+$0x0] =	vst.idx.msk $0xffff, v28  }
0x113: {  	v22 =	vmov s12  }
0x114: {  	v23 =	vmov s9;
	s1 =	sadd.s32 $0x40, s1;
	v22 =	vand.u32 $0x7F, v22  }
0x115: {  	v23 =	vand.u32 $0x7E, v23;
	v24 =	vld [tilespmem:s1+$0xFFFFE020];
	v25 =	vadd.s32 v0, v22  }
0x116: {  	v26 =	vld [tilespmem:s1+$0xFFFFE000];
	v27 =	vadd.s32 v0, v23;
	_ =	sdelay $0x3  }
0x117: {  	[tilespmem:v25+s24+$0x0] =	vst.idx.msk $0xffff, v24  }
0x118: {  	v56 =	vadd.s32 v1, v22;
	[tilespmem:v27+s24+$0x0] =	vst.idx.msk $0xffff, v26;
	v24 =	vld [tilespmem:s1+$0xFFFFE030]  }
0x119: {  	v57 =	vadd.s32 v1, v23;
	v26 =	vld [tilespmem:s1+$0xFFFFE010];
	_ =	sdelay $0x3  }
0x11a: {  	[tilespmem:v56+s24+$0x0] =	vst.idx.msk $0xffff, v24  }
0x11b: {  	v58 =	vadd.s32 v2, v22;
	[tilespmem:v57+s24+$0x0] =	vst.idx.msk $0xffff, v26;
	v24 =	vld [tilespmem:s1+$0xFFFFF020]  }
0x11c: {  	v59 =	vadd.s32 v2, v23;
	v26 =	vld [tilespmem:s1+$0xFFFFF000];
	_ =	sdelay $0x1  }
0x11d: {  	[tilespmem:v19+s24+$0x0] =	vst.idx.msk $0xffff, v18  }
0x11e: {  	v60 =	vadd.s32 v3, v10;
	[tilespmem:v21+s24+$0x0] =	vst.idx.msk $0xffff, v20;
	v18 =	vld [tilespmem:s0+$0xFFFFF030]  }
0x11f: {  	v61 =	vadd.s32 v3, v11;
	v20 =	vld [tilespmem:s0+$0xFFFFF010];
	[tilespmem:v58+s24+$0x0] =	vst.idx.msk $0xffff, v24  }
0x120: {  	v62 =	vadd.s32 v3, v22;
	[tilespmem:v59+s24+$0x0] =	vst.idx.msk $0xffff, v26;
	v24 =	vld [tilespmem:s1+$0xFFFFF030]  }
0x121: {  	v63 =	vadd.s32 v3, v23;
	v26 =	vld [tilespmem:s1+$0xFFFFF010]  }
0x122: {  	[tilespmem:v17+s24+$0x0] =	vst.idx.msk $0xffff, v16  }
0x123: {  	[tilespmem:v60+s24+$0x0] =	vst.idx.msk $0xffff, v18  }
0x124: {  	v29 =	vadd.s32 v4, v10;
	[tilespmem:v61+s24+$0x0] =	vst.idx.msk $0xffff, v20;
	v28 =	vld [tilespmem:s0+$0x20]  }
0x125: {  	v31 =	vadd.s32 v4, v11;
	v30 =	vld [tilespmem:s0+$0x0];
	[tilespmem:v62+s24+$0x0] =	vst.idx.msk $0xffff, v24  }
0x126: {  	v33 =	vadd.s32 v4, v22;
	[tilespmem:v63+s24+$0x0] =	vst.idx.msk $0xffff, v26;
	v32 =	vld [tilespmem:s1+$0x20]  }
0x127: {  	[tilespmem:v15+s24+$0x0] =	vst.idx.msk $0xffff, v13;
	v35 =	vadd.s32 v4, v23;
	v34 =	vld [tilespmem:s1+$0x0]  }
0x128: {  	v36 =	vld [tilespmem:s31+$0x30];
	v37 =	vadd.s32 v5, v8;
	[tilespmem:v14+s24+$0x0] =	vst.idx.msk $0xffff, v12  }
0x129: {  	v39 =	vadd.s32 v5, v9;
	v38 =	vld [tilespmem:s31+$0x10];
	[tilespmem:v29+s24+$0x0] =	vst.idx.msk $0xffff, v28  }
0x12a: {  	v40 =	vadd.s32 v5, v10;
	[tilespmem:v31+s24+$0x0] =	vst.idx.msk $0xffff, v30;
	v16 =	vld [tilespmem:s0+$0x30]  }
0x12b: {  	v41 =	vadd.s32 v5, v11;
	v18 =	vld [tilespmem:s0+$0x10];
	[tilespmem:v33+s24+$0x0] =	vst.idx.msk $0xffff, v32  }
0x12c: {  	v43 =	vadd.s32 v5, v22;
	[tilespmem:v35+s24+$0x0] =	vst.idx.msk $0xffff, v34;
	v42 =	vld [tilespmem:s1+$0x30]  }
0x12d: {  	v45 =	vadd.s32 v5, v23;
	[tilespmem:v37+s24+$0x0] =	vst.idx.msk $0xffff, v36;
	v44 =	vld [tilespmem:s1+$0x10]  }
0x12e: {  	v47 =	vadd.s32 v6, v8;
	[tilespmem:v39+s24+$0x0] =	vst.idx.msk $0xffff, v38;
	v46 =	vld [tilespmem:s31+$0x1020]  }
0x12f: {  	v49 =	vadd.s32 v6, v9;
	v48 =	vld [tilespmem:s31+$0x1000];
	[tilespmem:v40+s24+$0x0] =	vst.idx.msk $0xffff, v16  }
0x130: {  	v50 =	vadd.s32 v6, v10;
	[tilespmem:v41+s24+$0x0] =	vst.idx.msk $0xffff, v18;
	v16 =	vld [tilespmem:s0+$0x1020]  }
0x131: {  	v51 =	vadd.s32 v6, v11;
	v18 =	vld [tilespmem:s0+$0x1000];
	[tilespmem:v43+s24+$0x0] =	vst.idx.msk $0xffff, v42  }
0x132: {  	v52 =	vadd.s32 v6, v22;
	[tilespmem:v45+s24+$0x0] =	vst.idx.msk $0xffff, v44;
	v13 =	vld [tilespmem:s1+$0x1020]  }
0x133: {  	v54 =	vadd.s32 v6, v23;
	[tilespmem:v47+s24+$0x0] =	vst.idx.msk $0xffff, v46;
	v53 =	vld [tilespmem:s1+$0x1000]  }
0x134: {  	v8 =	vadd.s32 v7, v8;
	[tilespmem:v49+s24+$0x0] =	vst.idx.msk $0xffff, v48;
	v55 =	vld [tilespmem:s31+$0x1030]  }
0x135: {  	v56 =	vld [tilespmem:s31+$0x1010];
	v57 =	vadd.s32 v7, v9;
	[tilespmem:v50+s24+$0x0] =	vst.idx.msk $0xffff, v16  }
0x136: {  	v58 =	vadd.s32 v7, v10;
	[tilespmem:v51+s24+$0x0] =	vst.idx.msk $0xffff, v18;
	v16 =	vld [tilespmem:s0+$0x1030]  }
0x137: {  	v60 =	vadd.s32 v7, v11;
	v59 =	vld [tilespmem:s0+$0x1010];
	[tilespmem:v52+s24+$0x0] =	vst.idx.msk $0xffff, v13  }
0x138: {  	v62 =	vadd.s32 v7, v22;
	[tilespmem:v54+s24+$0x0] =	vst.idx.msk $0xffff, v53;
	v61 =	vld [tilespmem:s1+$0x1030]  }
0x139: {  	[tilespmem:v8+s24+$0x0] =	vst.idx.msk $0xffff, v55;
	v63 =	vadd.s32 v7, v23;
	v8 =	vld [tilespmem:s1+$0x1010]  }
0x13a: {  	[tilespmem:v57+s24+$0x0] =	vst.idx.msk $0xffff, v56  }
0x13b: {  	[tilespmem:v58+s24+$0x0] =	vst.idx.msk $0xffff, v16;
	s1 =	sshll.u32 s30, $0x13  }
0x13c: {  	[tilespmem:v60+s24+$0x0] =	vst.idx.msk $0xffff, v59;
	s0 =	sor.u32 s6, s1  }
0x13d: {  	s0 =	sshrl.u32 s0, $0x3;
	[tilespmem:v62+s24+$0x0] =	vst.idx.msk $0xffff, v61  }
0x13e: {  	s9 =	simm.s32 $0x12800;
	s1 =	sadd.s32 s2, s0;
	[tilespmem:v63+s24+$0x0] =	vst.idx.msk $0xffff, v8  }
0x13f: {  	[hbm4b:s1+s3] =	stream.linear.scatter [tilespmem:s9], [sflag:$0x4], $0x80, $0x38;
	[tilespmem:$0x16C00] =	vst v63  }
0x140: {  	s11 =	simm.s32 $0x12888;
	s12 =	sadd.s32 $0x10, s1  }
0x141: {  	[hbm4b:s12+s3] =	stream.linear.scatter [tilespmem:s11], [sflag:$0x4], $0x80, $0x38;
	[tilespmem:$0x16C00] =	vst v63  }
0x142: {  	s30 =	simm.s32 $0x12910;
	s0 =	simm.s32 $0x440;
	s31 =	sadd.s32 $0x20, s1  }
0x143: {  	[hbm4b:s31+s3] =	stream.linear.scatter [tilespmem:s30], [sflag:$0x4], $0x80, $0x38;
	[tilespmem:$0x16C00] =	vst v63  }
0x144: {  	s9 =	simm.s32 $0x2200;
	s11 =	simm.s32 $0x12998;
	s12 =	sadd.s32 $0x30, s1  }
0x145: {  	[hbm4b:s12+s3] =	stream.linear.scatter [tilespmem:s11], [sflag:$0x4], $0x80, $0x38;
	[tilespmem:$0x16C00] =	vst v63  }
0x146: {  	s30 =	simm.s32 $0x12A20;
	s31 =	sadd.s32 $0x40, s1;
	s11 =	simm.s32 $0x12AA8  }
0x147: {  	[hbm4b:s31+s3] =	stream.linear.scatter [tilespmem:s30], [sflag:$0x4], $0x80, $0x38;
	[tilespmem:$0x16C00] =	vst v63  }
0x148: {  	s12 =	sadd.s32 $0x50, s1;
	s30 =	simm.s32 $0x12B30;
	s31 =	sadd.s32 $0x60, s1  }
0x149: {  	[hbm4b:s12+s3] =	stream.linear.scatter [tilespmem:s11], [sflag:$0x4], $0x80, $0x38;
	[tilespmem:$0x16C00] =	vst v63  }
0x14a: {  	s11 =	simm.s32 $0x12BB8;
	s12 =	sadd.s32 $0x70, s1;
	s1 =	sadd.s32 $0x1000, s1  }
0x14b: {  	[hbm4b:s31+s3] =	stream.linear.scatter [tilespmem:s30], [sflag:$0x4], $0x80, $0x38;
	[tilespmem:$0x16C00] =	vst v63  }
.LBB2_9:
0x14c: {  	[hbm4b:s12+s3] =	stream.linear.scatter [tilespmem:s11], [sflag:$0x4], $0x80, $0x38;
	[tilespmem:$0x16C00] =	vst v63  }
0x14d: {  	s11 =	smov.u32 s0;
	s0 =	smov.u32 s9  }
0x14e: {  	s30 =	sadd.s32 $0x1100, s9;
	s0 =	sshra.s32 s0, $0x2;
	s12 =	sadd.s32 $0x12800, s11  }
0x14f: {  	[hbm4b:s1+s3] =	stream.linear.scatter [tilespmem:s12], [sflag:$0x4], $0x80, $0x38;
	[tilespmem:$0x16C00] =	vst v63  }
0x150: {  	p0 =	sne.s32 s9, $0xFF00;
	s9 =	sadd.s32 $0x12888, s11;
	s12 =	sadd.s32 $0x10, s1  }
0x151: {  	[hbm4b:s12+s3] =	stream.linear.scatter [tilespmem:s9], [sflag:$0x4], $0x80, $0x38;
	[tilespmem:$0x16C00] =	vst v63  }
0x152: {  	s9 =	sadd.s32 $0x12910, s11;
	s12 =	sadd.s32 $0x20, s1  }
0x153: {  	[hbm4b:s12+s3] =	stream.linear.scatter [tilespmem:s9], [sflag:$0x4], $0x80, $0x38;
	[tilespmem:$0x16C00] =	vst v63  }
0x154: {  	s9 =	sadd.s32 $0x12998, s11;
	s12 =	sadd.s32 $0x30, s1  }
0x155: {  	[hbm4b:s12+s3] =	stream.linear.scatter [tilespmem:s9], [sflag:$0x4], $0x80, $0x38;
	[tilespmem:$0x16C00] =	vst v63  }
0x156: {  	s9 =	sadd.s32 $0x12A20, s11;
	s12 =	sadd.s32 $0x40, s1  }
0x157: {  	[hbm4b:s12+s3] =	stream.linear.scatter [tilespmem:s9], [sflag:$0x4], $0x80, $0x38;
	[tilespmem:$0x16C00] =	vst v63  }
.Ltmp3:
0x158: {  	s9 =	sadd.s32 $0x12AA8, s11;
	s12 =	sadd.s32 $0x50, s1;
	(pc) =	sbr.rel @p0 .LBB2_9-.Ltmp3, $4  }
0x159: {  	[hbm4b:s12+s3] =	stream.linear.scatter [tilespmem:s9], [sflag:$0x4], $0x80, $0x38;
	[tilespmem:$0x16C00] =	vst v63  }
0x15a: {  	s9 =	sadd.s32 $0x12B30, s11;
	s12 =	sadd.s32 $0x60, s1;
	s11 =	sadd.s32 $0x12BB8, s11  }
0x15b: {  	[hbm4b:s12+s3] =	stream.linear.scatter [tilespmem:s9], [sflag:$0x4], $0x80, $0x38;
	[tilespmem:$0x16C00] =	vst v63  }
0x15c: {  	s12 =	sadd.s32 $0x70, s1;
	s1 =	sadd.s32 $0x1000, s1;
	s9 =	smov.u32 s30  }
0x15d: {  	[hbm4b:s12+s3] =	stream.linear.scatter [tilespmem:s11], [sflag:$0x4], $0x80, $0x38;
	[tilespmem:$0x16C00] =	vst v63  }
0x15e: {  	s9 =	sadd.s32 $0x12800, s0  }
0x15f: {  	[hbm4b:s1+s3] =	stream.linear.scatter [tilespmem:s9], [sflag:$0x4], $0x80, $0x38;
	[tilespmem:$0x16C00] =	vst v63  }
0x160: {  	s30 =	sadd.s32 $0x12888, s0;
	s31 =	sadd.s32 $0x10, s1  }
0x161: {  	[hbm4b:s31+s3] =	stream.linear.scatter [tilespmem:s30], [sflag:$0x4], $0x80, $0x38;
	[tilespmem:$0x16C00] =	vst v63  }
0x162: {  	s11 =	sadd.s32 $0x12910, s0;
	s12 =	sadd.s32 $0x20, s1  }
0x163: {  	[hbm4b:s12+s3] =	stream.linear.scatter [tilespmem:s11], [sflag:$0x4], $0x80, $0x38;
	[tilespmem:$0x16C00] =	vst v63  }
0x164: {  	s30 =	sadd.s32 $0x12998, s0;
	s31 =	sadd.s32 $0x30, s1  }
0x165: {  	[hbm4b:s31+s3] =	stream.linear.scatter [tilespmem:s30], [sflag:$0x4], $0x80, $0x38;
	[tilespmem:$0x16C00] =	vst v63  }
0x166: {  	s29 =	sadd.s32 $0x1, s29;
	s11 =	sadd.s32 $0x12A20, s0;
	s12 =	sadd.s32 $0x40, s1  }
0x167: {  	[hbm4b:s12+s3] =	stream.linear.scatter [tilespmem:s11], [sflag:$0x4], $0x80, $0x38;
	[tilespmem:$0x16C00] =	vst v63  }
0x168: {  	p0 =	sne.s32 s29, $0x19;
	s30 =	sadd.s32 $0x12AA8, s0;
	s31 =	sadd.s32 $0x50, s1  }
0x169: {  	[hbm4b:s31+s3] =	stream.linear.scatter [tilespmem:s30], [sflag:$0x4], $0x80, $0x38;
	[tilespmem:$0x16C00] =	vst v63  }
.Ltmp4:
0x16a: {  	_ = 	snop;
	(pc) =	sbr.rel @p0 .LBB2_2-.Ltmp4, $4  }
0x16b: {  	s11 =	sadd.s32 $0x12B30, s0;
	s12 =	sadd.s32 $0x60, s1  }
0x16c: {  	[hbm4b:s12+s3] =	stream.linear.scatter [tilespmem:s11], [sflag:$0x4], $0x80, $0x38;
	[tilespmem:$0x16C00] =	vst v63  }
0x16d: {  	s30 =	sadd.s32 $0x12BB8, s0;
	s31 =	sadd.s32 $0x70, s1  }
0x16e: {  	[hbm4b:s31+s3] =	stream.linear.scatter [tilespmem:s30], [sflag:$0x4], $0x80, $0x38;
	[tilespmem:$0x16C00] =	vst v63  }
0x16f: {  	s28 =	sadd.s32 $0x1, s28  }
0x170: {  	_ =	swait.ge [sflag:s25], $0x4000;
	p0 =	sne.s32 s28, s7  }
.Ltmp5:
0x171: {  	[sflag:s25] =	ssyncset.done $0x0;
	(pc) =	sbr.rel @p0 .LBB2_1-.Ltmp5, $4  }
0x172: {  	[sflag:s25] =	ssyncadd.s32 $0xFFFFC000  }
0x173: {  	_ =	swait.ge [sflag:s26], $0x4000  }
0x174: {  	[sflag:s26] =	ssyncset.done $0x0  }
0x175: {  	[sflag:s26] =	ssyncadd.s32 $0xFFFFC000  }
0x176: {  	_ =	sfence.sel $0x180000  }
0x177: {  	[bflag:$0x0] =	sbarrier.arrive $0xFFFF  }
0x178: {  	_ =	strace $0x90000047  }
0x179: {  	s0 =	stileid.u32;
	[bflag:$0x2] =	sbarrier.arrive $0xFFFF  }
0x17a: {  	p0 =	sne.s32 s0, $0x0;
	s0 =	rddreg [dreg:$0x2]  }
0x17b: {  	s0 =	sadd.s32 @!p0 $0x100000, s0  }
0x17c: {  	[sflag:s0] =	ssyncadd.tile.s32 @!p0 $0x1;
	_ =	shalt  }
.Lfunc_end2:
_tile_overlayer_lowered:
.L_overlay_start_2:
0x17d: {  	(tag) =	ssettag $0x2  }
0x17e: {  	s0 =	rddreg [dreg:$0x0];
	s2 =	stileid.u32  }
0x17f: {  	s1 =	rddreg [dreg:$0x1];
	p0 =	sne.s32 s2, $0x0  }
0x180: {  	s3 =	rddreg [dreg:$0x2];
	[bflag:$0x3] =	sbarrier.arrive $0xFFFF;
	s2 =	simm.s32 @!p0 $0x1C05  }
0x181: {  	[timem:s3], [sflag:s2] =	dma.local @!p0 [hbm:s0], s1  }
0x182: {  	s0 =	simm.s32 @!p0 $0x5  }
0x183: {  	_ =	swait.ge @!p0 [sflag:s0], s1  }
0x184: {  	s1 =	ssub.s32 @!p0 $0x0, s1;
	[sflag:s0] =	ssyncset.done @!p0 $0x0  }
0x185: {  	[sflag:s0] =	ssyncadd.s32 @!p0 s1  }
0x186: {  	[bflag:$0x3] =	sbarrier.arrive $0xFFFF  }
0x187: {  	_ =	shalt  }

</sc_bundles>
